<compile_context>
chip_gen: v7x
topology: tpu7x:2x2x1
jax: 0.10.2.dev20260603
libtpu: 0.0.44.dev20260713+nightly
codegen_flags: <defaults>
</compile_context>

<pallas_src>
import functools

import jax
import jax.numpy as jnp
from jax import lax
from jax.experimental import pallas as pl
from jax.experimental.pallas import tpu as pltpu
from jax.experimental.pallas import tpu_sc as plsc

_N, _D, _K, _KP = 10000, 128, 30, 32
_NW = 32
_LANE = 128
_RPT = 320
_NPAD = 10240


def _pass_a(x_ref, aw_ref, ab_ref, pw_ref, pb_ref, s32_ref, z_ref):
    i = pl.program_id(0)
    xb = x_ref[...]
    logits = jnp.dot(xb, aw_ref[...], preferred_element_type=jnp.float32)
    logits = logits + ab_ref[...]
    m = jnp.max(logits, axis=-1, keepdims=True)
    e = jnp.exp(logits - m)
    s = e / jnp.sum(e, axis=-1, keepdims=True)
    colid = lax.broadcasted_iota(jnp.int32, s.shape, 1)
    s32 = jnp.where(colid == _K, 1.0, s)
    s32_ref[...] = s32
    xp = jnp.dot(xb, pw_ref[...], preferred_element_type=jnp.float32)
    xp = xp + pb_ref[...]
    zp = lax.dot_general(s32[:, :_KP], xp, (((0,), (0,)), ((), ())),
                         preferred_element_type=jnp.float32)

    @pl.when(i == 0)
    def _():
        z_ref[...] = zp

    @pl.when(i > 0)
    def _():
        z_ref[...] += zp


def _make_seg_sum(ngrp):
    mesh = plsc.VectorSubcoreMesh(core_axis_name="c", subcore_axis_name="s")

    depth = 8
    nbuf = 2 * depth
    q, rem = divmod(ngrp, _NW)
    assert q >= nbuf

    @functools.partial(
        pl.kernel,
        out_type=jax.ShapeDtypeStruct((2, _NPAD, 128), jnp.float32),
        mesh=mesh,
        scratch_types=[
            pltpu.VMEM((q + 1, _LANE), jnp.int32),
            pltpu.VMEM((q + 1, _LANE), jnp.int32),
            pltpu.VMEM((nbuf, _LANE, _KP), jnp.float32),
            pltpu.VMEM_SHARED((_NPAD, _KP), jnp.float32),
            pltpu.VMEM_SHARED((_N, _KP), jnp.float32),
            pltpu.SemaphoreType.DMA,
            pltpu.SemaphoreType.DMA,
        ],
        compiler_params=pltpu.CompilerParams(use_tc_tiling_on_sc=False),
    )
    def seg_sum(s32_hbm, e3_hbm, zeros_hbm, out_hbm,
                colv, rowv, rowsv, shared, table, gsem, ssem):
        cid = lax.axis_index("c")
        sid = lax.axis_index("s")
        wid = sid * 2 + cid
        base = q * wid + jnp.minimum(wid, rem)
        nch = q + jnp.where(wid < rem, 1, 0)
        pltpu.sync_copy(zeros_hbm.at[pl.ds(sid * 2 * _RPT, 2 * _RPT)],
                        shared.at[pl.ds(sid * 2 * _RPT, 2 * _RPT)])
        pltpu.sync_copy(
            s32_hbm.at[pl.ds(sid * (_N // 16), _N // 16), pl.ds(0, _KP)],
            table.at[pl.ds(sid * (_N // 16), _N // 16)])
        pltpu.sync_copy(e3_hbm.at[pl.ds(base, q), 1], colv.at[pl.ds(0, q)])
        pltpu.sync_copy(e3_hbm.at[pl.ds(base, q), 0], rowv.at[pl.ds(0, q)])

        @pl.when(wid < rem)
        def _():
            pltpu.sync_copy(e3_hbm.at[pl.ds(base + q, 1), 1],
                            colv.at[pl.ds(q, 1)])
            pltpu.sync_copy(e3_hbm.at[pl.ds(base + q, 1), 0],
                            rowv.at[pl.ds(q, 1)])

        plsc.subcore_barrier()

        def buf(j):
            return rowsv.at[lax.rem(j, nbuf)]

        def gstart(j):
            pltpu.async_copy(table.at[colv.at[j]], buf(j), gsem)

        def gwait(j):
            pltpu.make_async_copy(table.at[colv.at[j]], buf(j), gsem).wait()

        def sstart(j):
            pltpu.async_copy(buf(j), shared.at[rowv.at[j]], ssem, add=True)

        def swait(j):
            pltpu.make_async_copy(buf(j), shared.at[rowv.at[j]], ssem).wait()

        for j in range(depth):
            gstart(j)
        for j in range(depth):
            gstart(j + depth)
            gwait(j)
            sstart(j)

        def body(j, carry):
            swait(j - depth)
            gstart(j + depth)
            gwait(j)
            sstart(j)
            return carry

        lax.fori_loop(depth, nch - depth, body, 0)

        def tail(j, carry):
            swait(j - depth)
            gwait(j)
            sstart(j)
            return carry

        lax.fori_loop(nch - depth, nch, tail, 0)

        def drain(j, carry):
            swait(j)
            return carry

        lax.fori_loop(nch - depth, nch, drain, 0)
        plsc.subcore_barrier()
        pltpu.sync_copy(
            shared.at[pl.ds(sid * 2 * _RPT, 2 * _RPT)],
            out_hbm.at[cid, pl.ds(sid * 2 * _RPT, 2 * _RPT), pl.ds(0, _KP)])

    return seg_sum


def _explain(xk, a_mask, w_top, w_bot, m1_b, m2_w, m2_b, lin_w, lin_b):
    u = jnp.dot(xk, w_top, preferred_element_type=jnp.float32)
    v = jnp.dot(xk, w_bot, preferred_element_type=jnp.float32)
    h = jnp.maximum(u[:, None, :] + v[None, :, :] + m1_b, 0.0)
    logit = jnp.sum(h * m2_w, axis=-1) + m2_b[...]
    mask = (1.0 / (1.0 + jnp.exp(-logit))) * a_mask
    wsum = jnp.sum(mask, axis=1, keepdims=True)
    w = mask / (wsum + 1e-09)
    agg = jnp.dot(w, xk, preferred_element_type=jnp.float32)
    deg = jnp.sum(a_mask, axis=1, keepdims=True)
    emb = jnp.where(deg > 0, 0.5 * xk + 0.5 * agg, xk)
    out = jnp.dot(emb, lin_w, preferred_element_type=jnp.float32) + lin_b
    return jnp.maximum(out, 0.0)


def _pass_c(s32_ref, adj_ref, z_ref,
            e1w_top, e1w_bot, e1m1b, e1m2w, e1m2b, e1lw, e1lb,
            e2w_top, e2w_bot, e2m1b, e2m2w, e2m2b, e2lw, e2lb,
            lw_ref, lb_ref,
            out_ref, mc_ref, or_ref,
            acc_ref, ss_ref):
    i = pl.program_id(0)
    n_blk = pl.num_programs(0)
    s32 = s32_ref[...][:, :_KP]
    adj = adj_ref[0, :, :_KP] + adj_ref[1, :, :_KP]
    part = lax.dot_general(s32, adj, (((0,), (0,)), ((), ())),
                           preferred_element_type=jnp.float32)
    ssp = lax.dot_general(s32, s32, (((0,), (0,)), ((), ())),
                          preferred_element_type=jnp.float32)

    @pl.when(i == 0)
    def _():
        acc_ref[...] = part
        ss_ref[...] = ssp

    @pl.when(i > 0)
    def _():
        acc_ref[...] += part
        ss_ref[...] += ssp

    @pl.when(i == n_blk - 1)
    def _():
        acc = acc_ref[...]
        adj_new = acc[:_K, :_K]
        r = lax.broadcasted_iota(jnp.int32, (_K, _K), 0)
        c = lax.broadcasted_iota(jnp.int32, (_K, _K), 1)
        eye = (r == c).astype(jnp.float32)
        cut = jnp.sum(adj_new * eye, keepdims=True)
        vol = jnp.sum(acc[:_K, _K:_K + 1], keepdims=True)
        mc_ref[...] = -cut / (vol + 1e-09)
        ss = ss_ref[:_K, :_K]
        or_ref[...] = jnp.sqrt(jnp.sum((ss - eye) ** 2, keepdims=True))
        a_mask = (adj_new > 0).astype(jnp.float32)
        zk = z_ref[:_K, :]
        x1 = _explain(zk, a_mask, e1w_top[...], e1w_bot[...], e1m1b[...],
                      e1m2w[...], e1m2b[...], e1lw[...], e1lb[...])
        x2 = _explain(x1, a_mask, e2w_top[...], e2w_bot[...], e2m1b[...],
                      e2m2w[...], e2m2b[...], e2lw[...], e2lb[...])
        out_ref[...] = (jnp.dot(x2, lw_ref[...],
                                preferred_element_type=jnp.float32)
                        + lb_ref[...])


def kernel(x, edge_index, assign_W, assign_b, proj_W, proj_b,
           e1_m1_W, e1_m1_b, e1_m2_W, e1_m2_b, e1_lin_W, e1_lin_b,
           e2_m1_W, e2_m1_b, e2_m2_W, e2_m2_b, e2_lin_W, e2_lin_b,
           lin_W, lin_b):
    n, d = x.shape
    e = edge_index.shape[1]
    blk = 2000
    n_blk = n // blk

    aw = jnp.pad(assign_W, ((0, 0), (0, 128 - _K)))
    ab = jnp.pad(assign_b, (0, 128 - _K), constant_values=-1e9).reshape(1, 128)
    pb = proj_b.reshape(1, d)

    s32, z32 = pl.pallas_call(
        _pass_a,
        grid=(n_blk,),
        in_specs=[
            pl.BlockSpec((blk, d), lambda i: (i, 0)),
            pl.BlockSpec((d, 128), lambda i: (0, 0)),
            pl.BlockSpec((1, 128), lambda i: (0, 0)),
            pl.BlockSpec((d, d), lambda i: (0, 0)),
            pl.BlockSpec((1, d), lambda i: (0, 0)),
        ],
        out_specs=[
            pl.BlockSpec((blk, 128), lambda i: (i, 0)),
            pl.BlockSpec((_KP, d), lambda i: (0, 0)),
        ],
        out_shape=[
            jax.ShapeDtypeStruct((n, 128), jnp.float32),
            jax.ShapeDtypeStruct((_KP, d), jnp.float32),
        ],
    )(x, aw, ab, proj_W, pb)

    ngrp = e // _LANE
    assert e % _LANE == 0
    e3 = edge_index.reshape(2, ngrp, _LANE).transpose(1, 0, 2)
    zeros = jnp.zeros((_NPAD, _KP), jnp.float32)

    parts = _make_seg_sum(ngrp)(s32, e3, zeros)

    e1m2w = e1_m2_W.reshape(1, -1)
    e2m2w = e2_m2_W.reshape(1, -1)

    def whole(shape):
        return pl.BlockSpec(shape, lambda i: tuple(0 for _ in shape))

    o = lin_W.shape[1]
    out, mc, ortho = pl.pallas_call(
        _pass_c,
        grid=(n_blk,),
        in_specs=[
            pl.BlockSpec((blk, 128), lambda i: (i, 0)),
            pl.BlockSpec((2, blk, 128), lambda i: (0, i, 0)),
            whole((_KP, d)),
            whole((d, d)), whole((d, d)), whole((1, d)),
            whole((1, d)), whole((1, 1)), whole((d, d)), whole((1, d)),
            whole((d, d)), whole((d, d)), whole((1, d)),
            whole((1, d)), whole((1, 1)), whole((d, d)), whole((1, d)),
            whole((d, o)), whole((1, o)),
        ],
        out_specs=[
            whole((_K, o)),
            whole((1, 1)),
            whole((1, 1)),
        ],
        out_shape=[
            jax.ShapeDtypeStruct((_K, o), jnp.float32),
            jax.ShapeDtypeStruct((1, 1), jnp.float32),
            jax.ShapeDtypeStruct((1, 1), jnp.float32),
        ],
        scratch_shapes=[
            pltpu.VMEM((_KP, _KP), jnp.float32),
            pltpu.VMEM((_KP, _KP), jnp.float32),
        ],
    )(s32, parts, z32,
      e1_m1_W[:d], e1_m1_W[d:], e1_m1_b.reshape(1, d),
      e1m2w, e1_m2_b.reshape(1, 1), e1_lin_W, e1_lin_b.reshape(1, -1),
      e2_m1_W[:d], e2_m1_W[d:], e2_m1_b.reshape(1, d),
      e2m2w, e2_m2_b.reshape(1, 1), e2_lin_W, e2_lin_b.reshape(1, -1),
      lin_W, lin_b.reshape(1, -1))

    return (out, mc.reshape(()), ortho.reshape(()), z32[:_K], s32[:, :_K])

# --- scband reference (transcript-rebuilt; emitter-appended) ---
"""Pipeline reference for scband-min-cut-explainer-gnn-44770739093935 (READ-ONLY COPY).

The authoritative reference and input builder live on the scoring server;
editing this copy changes nothing except your own understanding.
"""

import jax, jax.numpy as jnp
import numpy as np

N, E, D, K, H, O = 10000, 320000, 128, 30, 128, 64

def _p(key, shape):
    return jax.random.normal(key, shape, dtype=jnp.float32) * 0.05

def setup_inputs(seed: int = 0) -> dict:
    key = jax.random.key(seed)
    ks = jax.random.split(key, 18)
    x = jax.random.normal(ks[0], (N, D), dtype=jnp.float32)
    edge_index = jax.random.randint(ks[1], (2, E), 0, N)
    return {
        'x': x,
        'edge_index': edge_index,
        'assign_W': _p(ks[2], (D, K)), 'assign_b': jnp.zeros((K,), jnp.float32),
        'proj_W': _p(ks[3], (D, D)), 'proj_b': jnp.zeros((D,), jnp.float32),
        'e1_m1_W': _p(ks[4], (2 * D, D)), 'e1_m1_b': jnp.zeros((D,), jnp.float32),
        'e1_m2_W': _p(ks[5], (D, 1)), 'e1_m2_b': jnp.zeros((1,), jnp.float32),
        'e1_lin_W': _p(ks[6], (D, H)), 'e1_lin_b': jnp.zeros((H,), jnp.float32),
        'e2_m1_W': _p(ks[7], (2 * H, H)), 'e2_m1_b': jnp.zeros((H,), jnp.float32),
        'e2_m2_W': _p(ks[8], (H, 1)), 'e2_m2_b': jnp.zeros((1,), jnp.float32),
        'e2_lin_W': _p(ks[9], (H, H)), 'e2_lin_b': jnp.zeros((H,), jnp.float32),
        'lin_W': _p(ks[10], (H, O)), 'lin_b': jnp.zeros((O,), jnp.float32),
    }

def _explainer_agg(x, A_mask, m1_W, m1_b, m2_W, m2_b, lin_W, lin_b):
    # Dense, vectorized equivalent of the per-node neighbor-importance loop.
    Kn = x.shape[0]
    xi = jnp.broadcast_to(x[:, None, :], (Kn, Kn, x.shape[1]))  # center repeated per neighbor
    xj = jnp.broadcast_to(x[None, :, :], (Kn, Kn, x.shape[1]))  # neighbor features
    pairs = jnp.concatenate([xi, xj], axis=-1)                  # [K,K,2d]
    h = jax.nn.relu(pairs @ m1_W + m1_b)
    mask = jax.nn.sigmoid(h @ m2_W + m2_b)[..., 0]              # [K,K]
    mask = mask * A_mask                                        # restrict to actual neighbors (row i -> cols j)
    wsum = mask.sum(axis=1, keepdims=True)
    w = mask / (wsum + 1e-09)
    agg = w @ x
    deg = A_mask.sum(axis=1)
    out_emb = jnp.where(deg[:, None] > 0, 0.5 * x + 0.5 * agg, x)
    out = out_emb @ lin_W + lin_b
    return jax.nn.relu(out)

def reference(x, edge_index, assign_W, assign_b, proj_W, proj_b,
              e1_m1_W, e1_m1_b, e1_m2_W, e1_m2_b, e1_lin_W, e1_lin_b,
              e2_m1_W, e2_m1_b, e2_m2_W, e2_m2_b, e2_lin_W, e2_lin_b,
              lin_W, lin_b):
    row, col = edge_index[0], edge_index[1]
    n = x.shape[0]
    # MinCutPoolLayerSparse
    S = jax.nn.softmax(x @ assign_W + assign_b, axis=-1)        # [N,K]
    X_proj = x @ proj_W + proj_b
    Z = S.T @ X_proj                                            # [K,D]
    adj_S = jax.ops.segment_sum(S[col], row, num_segments=n)    # sparse A @ S
    adj_new = S.T @ adj_S                                       # [K,K]
    deg = jax.ops.segment_sum(jnp.ones(row.shape[0], jnp.float32), row, num_segments=n)
    Dm = deg[:, None] * jnp.ones_like(S)
    vol = jnp.trace(S.T @ Dm)
    cut = jnp.trace(adj_new)
    mincut_loss = -cut / (vol + 1e-09)
    SS = S.T @ S
    ortho_loss = jnp.linalg.norm(SS - jnp.eye(S.shape[1], dtype=S.dtype))
    # edge_index_pooled = nonzero(adj_new > 0) -> dense boolean mask (gradient-free)
    A_mask = (adj_new > 0).astype(x.dtype)
    x_gnn = _explainer_agg(Z, A_mask, e1_m1_W, e1_m1_b, e1_m2_W, e1_m2_b, e1_lin_W, e1_lin_b)
    x_gnn = _explainer_agg(x_gnn, A_mask, e2_m1_W, e2_m1_b, e2_m2_W, e2_m2_b, e2_lin_W, e2_lin_b)
    out = x_gnn @ lin_W + lin_b
    return (out, mincut_loss, ortho_loss, Z, S)

if __name__ == "__main__":
    import jax
    _d = setup_inputs()
    print(jax.jit(kernel)(*tuple(_d.values())))

</pallas_src>

<mosaic_0001>
#map = affine_map<(d0, d1) -> (0, 0)>
#map1 = affine_map<(d0, d1) -> (0, 0, 0)>
module attributes {stable_mosaic.version = 14 : i64} {
  func.func @seg_sum(%arg0: i32, %arg1: i32, %arg2: memref<10000x128xf32, #tpu.memory_space<hbm>>, %arg3: memref<2500x2x128xi32, #tpu.memory_space<hbm>>, %arg4: memref<10240x32xf32, #tpu.memory_space<hbm>>, %arg5: memref<2x10240x128xf32, #tpu.memory_space<hbm>>, %arg6: memref<79x128xi32, #tpu.memory_space<vmem>>, %arg7: memref<79x128xi32, #tpu.memory_space<vmem>>, %arg8: memref<16x128x32xf32, #tpu.memory_space<vmem>>, %arg9: memref<10240x32xf32, #tpu.memory_space<vmem_shared>>, %arg10: memref<10000x32xf32, #tpu.memory_space<vmem_shared>>, %arg11: memref<!tpu.dma_semaphore, #tpu.memory_space<semaphore_mem>>, %arg12: memref<!tpu.dma_semaphore, #tpu.memory_space<semaphore_mem>>) attributes {dimension_semantics = [#tpu.dimension_semantics<core_parallel>, #tpu.dimension_semantics<subcore_parallel>], iteration_bounds = array<i64: 2, 16>, scalar_prefetch = 0 : i64, scratch_operands = 7 : i64, tpu.core_type = #tpu.core_type<sc_vector_subcore>, window_params = [{transform_indices = #map}, {transform_indices = #map1}, {transform_indices = #map}, {transform_indices = #map1}]} {
    %mul3A = arith.constant 2 : i32
    %mul3A_0 = arith.muli %arg1, %mul3A : i32
    %add3A = arith.addi %mul3A_0, %arg0 : i32
    %mul3A_1 = arith.constant 78 : i32
    %mul3A_2 = arith.muli %mul3A_1, %add3A : i32
    %min3A = arith.constant 4 : i32
    %min3A_3 = arith.minsi %add3A, %min3A : i32
    %add3A_4 = arith.addi %mul3A_2, %min3A_3 : i32
    %lt3A = arith.constant 4 : i32
    %lt3A_5 = arith.cmpi slt, %add3A, %lt3A : i32
    %jit3A = arith.constant 1 : i32
    %jit3A_6 = arith.constant 0 : i32
    %select_n3A = arith.select %lt3A_5, %jit3A, %jit3A_6 : i32
    %add3A_7 = arith.constant 78 : i32
    %add3A_8 = arith.addi %add3A_7, %select_n3A : i32
    %mul3A_9 = arith.constant 2 : i32
    %mul3A_10 = arith.muli %arg1, %mul3A_9 : i32
    %mul3A_11 = arith.constant 320 : i32
    %mul3A_12 = arith.muli %mul3A_10, %mul3A_11 : i32
    %mul3A_13 = arith.constant 2 : i32
    %mul3A_14 = arith.muli %arg1, %mul3A_13 : i32
    %mul3A_15 = arith.constant 320 : i32
    %mul3A_16 = arith.muli %mul3A_14, %mul3A_15 : i32
    "tpu.region"() ({
      %run_scoped3A_511 = tpu.sem_alloc : memref<!tpu.dma_semaphore, #tpu.memory_space<semaphore_mem>>
      %dma_start3A_512 = arith.constant 0 : i32
      %dma_start3A_513 = tpu.memref_slice %arg9[%mul3A_16, %dma_start3A_512] : memref<10240x32xf32, #tpu.memory_space<vmem_shared>> -> memref<640x32xf32, #tpu.memory_space<vmem_shared>>
      %dma_start3A_514 = arith.constant 0 : i32
      %dma_start3A_515 = tpu.memref_slice %arg4[%mul3A_12, %dma_start3A_514] : memref<10240x32xf32, #tpu.memory_space<hbm>> -> memref<640x32xf32, #tpu.memory_space<hbm>>
      tpu.enqueue_dma source(%dma_start3A_515 : memref<640x32xf32, #tpu.memory_space<hbm>>) target(%dma_start3A_513 : memref<640x32xf32, #tpu.memory_space<vmem_shared>>) target_semaphore(%run_scoped3A_511 : memref<!tpu.dma_semaphore, #tpu.memory_space<semaphore_mem>>)
      %dma_wait3A_516 = arith.constant 0 : i32
      %dma_wait3A_517 = tpu.memref_slice %arg9[%mul3A_16, %dma_wait3A_516] : memref<10240x32xf32, #tpu.memory_space<vmem_shared>> -> memref<640x32xf32, #tpu.memory_space<vmem_shared>>
      %dma_wait3A_518 = arith.constant 0 : i32
      %dma_wait3A_519 = tpu.memref_slice %arg4[%mul3A_12, %dma_wait3A_518] : memref<10240x32xf32, #tpu.memory_space<hbm>> -> memref<640x32xf32, #tpu.memory_space<hbm>>
      tpu.wait_dma2 semaphore(%run_scoped3A_511 : memref<!tpu.dma_semaphore, #tpu.memory_space<semaphore_mem>>) src(%dma_wait3A_519 : memref<640x32xf32, #tpu.memory_space<hbm>>) dst(%dma_wait3A_517 : memref<640x32xf32, #tpu.memory_space<vmem_shared>>)
      tpu.yield
    }) : () -> ()
    %mul3A_17 = arith.constant 625 : i32
    %mul3A_18 = arith.muli %arg1, %mul3A_17 : i32
    %mul3A_19 = arith.constant 625 : i32
    %mul3A_20 = arith.muli %arg1, %mul3A_19 : i32
    "tpu.region"() ({
      %run_scoped3A_511 = tpu.sem_alloc : memref<!tpu.dma_semaphore, #tpu.memory_space<semaphore_mem>>
      %dma_start3A_512 = arith.constant 0 : i32
      %dma_start3A_513 = tpu.memref_slice %arg10[%mul3A_20, %dma_start3A_512] : memref<10000x32xf32, #tpu.memory_space<vmem_shared>> -> memref<625x32xf32, #tpu.memory_space<vmem_shared>>
      %dma_start3A_514 = arith.constant 0 : i32
      %dma_start3A_515 = tpu.memref_slice %arg2[%mul3A_18, %dma_start3A_514] : memref<10000x128xf32, #tpu.memory_space<hbm>> -> memref<625x32xf32, #tpu.memory_space<hbm>>
      tpu.enqueue_dma source(%dma_start3A_515 : memref<625x32xf32, #tpu.memory_space<hbm>>) target(%dma_start3A_513 : memref<625x32xf32, #tpu.memory_space<vmem_shared>>) target_semaphore(%run_scoped3A_511 : memref<!tpu.dma_semaphore, #tpu.memory_space<semaphore_mem>>)
      %dma_wait3A_516 = arith.constant 0 : i32
      %dma_wait3A_517 = tpu.memref_slice %arg10[%mul3A_20, %dma_wait3A_516] : memref<10000x32xf32, #tpu.memory_space<vmem_shared>> -> memref<625x32xf32, #tpu.memory_space<vmem_shared>>
      %dma_wait3A_518 = arith.constant 0 : i32
      %dma_wait3A_519 = tpu.memref_slice %arg2[%mul3A_18, %dma_wait3A_518] : memref<10000x128xf32, #tpu.memory_space<hbm>> -> memref<625x32xf32, #tpu.memory_space<hbm>>
      tpu.wait_dma2 semaphore(%run_scoped3A_511 : memref<!tpu.dma_semaphore, #tpu.memory_space<semaphore_mem>>) src(%dma_wait3A_519 : memref<625x32xf32, #tpu.memory_space<hbm>>) dst(%dma_wait3A_517 : memref<625x32xf32, #tpu.memory_space<vmem_shared>>)
      tpu.yield
    }) : () -> ()
    %run_scoped3A = arith.constant 1 : i32
    "tpu.region"() ({
      %run_scoped3A_511 = tpu.sem_alloc : memref<!tpu.dma_semaphore, #tpu.memory_space<semaphore_mem>>
      %dma_start3A_512 = arith.constant 0 : i32
      %dma_start3A_513 = arith.constant 0 : i32
      %dma_start3A_514 = tpu.memref_slice %arg6[%dma_start3A_512, %dma_start3A_513] : memref<79x128xi32, #tpu.memory_space<vmem>> -> memref<78x128xi32, #tpu.memory_space<vmem>>
      %dma_start3A_515 = arith.constant 0 : i32
      %dma_start3A_516 = tpu.memref_slice %arg3[%add3A_4, %run_scoped3A, %dma_start3A_515] : memref<2500x2x128xi32, #tpu.memory_space<hbm>> -> memref<78x1x128xi32, #tpu.memory_space<hbm>>
      %dma_start3A_517 = tpu.memref_squeeze %dma_start3A_516 : memref<78x1x128xi32, #tpu.memory_space<hbm>> -> memref<78x128xi32, #tpu.memory_space<hbm>>
      %dma_start3A_518 = arith.constant 0 : i32
      %dma_start3A_519 = arith.constant 0 : i32
      %dma_start3A_520 = tpu.memref_slice %arg6[%dma_start3A_518, %dma_start3A_519] : memref<79x128xi32, #tpu.memory_space<vmem>> -> memref<78x128xi32, #tpu.memory_space<vmem>>
      %dma_start3A_521 = arith.constant 0 : i32
      %dma_start3A_522 = tpu.memref_slice %arg3[%add3A_4, %run_scoped3A, %dma_start3A_521] : memref<2500x2x128xi32, #tpu.memory_space<hbm>> -> memref<78x1x128xi32, #tpu.memory_space<hbm>>
      %dma_start3A_523 = tpu.memref_squeeze %dma_start3A_522 : memref<78x1x128xi32, #tpu.memory_space<hbm>> -> memref<78x128xi32, #tpu.memory_space<hbm>>
      tpu.enqueue_dma source(%dma_start3A_523 : memref<78x128xi32, #tpu.memory_space<hbm>>) target(%dma_start3A_520 : memref<78x128xi32, #tpu.memory_space<vmem>>) target_semaphore(%run_scoped3A_511 : memref<!tpu.dma_semaphore, #tpu.memory_space<semaphore_mem>>)
      %dma_wait3A_524 = arith.constant 0 : i32
      %dma_wait3A_525 = arith.constant 0 : i32
      %dma_wait3A_526 = tpu.memref_slice %arg6[%dma_wait3A_524, %dma_wait3A_525] : memref<79x128xi32, #tpu.memory_space<vmem>> -> memref<78x128xi32, #tpu.memory_space<vmem>>
      %dma_wait3A_527 = arith.constant 0 : i32
      %dma_wait3A_528 = tpu.memref_slice %arg3[%add3A_4, %run_scoped3A, %dma_wait3A_527] : memref<2500x2x128xi32, #tpu.memory_space<hbm>> -> memref<78x1x128xi32, #tpu.memory_space<hbm>>
      %dma_wait3A_529 = tpu.memref_squeeze %dma_wait3A_528 : memref<78x1x128xi32, #tpu.memory_space<hbm>> -> memref<78x128xi32, #tpu.memory_space<hbm>>
      %dma_wait3A_530 = arith.constant 0 : i32
      %dma_wait3A_531 = arith.constant 0 : i32
      %dma_wait3A_532 = tpu.memref_slice %arg6[%dma_wait3A_530, %dma_wait3A_531] : memref<79x128xi32, #tpu.memory_space<vmem>> -> memref<78x128xi32, #tpu.memory_space<vmem>>
      %dma_wait3A_533 = arith.constant 0 : i32
      %dma_wait3A_534 = tpu.memref_slice %arg3[%add3A_4, %run_scoped3A, %dma_wait3A_533] : memref<2500x2x128xi32, #tpu.memory_space<hbm>> -> memref<78x1x128xi32, #tpu.memory_space<hbm>>
      %dma_wait3A_535 = tpu.memref_squeeze %dma_wait3A_534 : memref<78x1x128xi32, #tpu.memory_space<hbm>> -> memref<78x128xi32, #tpu.memory_space<hbm>>
      tpu.wait_dma2 semaphore(%run_scoped3A_511 : memref<!tpu.dma_semaphore, #tpu.memory_space<semaphore_mem>>) src(%dma_wait3A_535 : memref<78x128xi32, #tpu.memory_space<hbm>>) dst(%dma_wait3A_532 : memref<78x128xi32, #tpu.memory_space<vmem>>)
      tpu.yield
    }) : () -> ()
    %run_scoped3A_21 = arith.constant 0 : i32
    "tpu.region"() ({
      %run_scoped3A_511 = tpu.sem_alloc : memref<!tpu.dma_semaphore, #tpu.memory_space<semaphore_mem>>
      %dma_start3A_512 = arith.constant 0 : i32
      %dma_start3A_513 = arith.constant 0 : i32
      %dma_start3A_514 = tpu.memref_slice %arg7[%dma_start3A_512, %dma_start3A_513] : memref<79x128xi32, #tpu.memory_space<vmem>> -> memref<78x128xi32, #tpu.memory_space<vmem>>
      %dma_start3A_515 = arith.constant 0 : i32
      %dma_start3A_516 = tpu.memref_slice %arg3[%add3A_4, %run_scoped3A_21, %dma_start3A_515] : memref<2500x2x128xi32, #tpu.memory_space<hbm>> -> memref<78x1x128xi32, #tpu.memory_space<hbm>>
      %dma_start3A_517 = tpu.memref_squeeze %dma_start3A_516 : memref<78x1x128xi32, #tpu.memory_space<hbm>> -> memref<78x128xi32, #tpu.memory_space<hbm>>
      %dma_start3A_518 = arith.constant 0 : i32
      %dma_start3A_519 = arith.constant 0 : i32
      %dma_start3A_520 = tpu.memref_slice %arg7[%dma_start3A_518, %dma_start3A_519] : memref<79x128xi32, #tpu.memory_space<vmem>> -> memref<78x128xi32, #tpu.memory_space<vmem>>
      %dma_start3A_521 = arith.constant 0 : i32
      %dma_start3A_522 = tpu.memref_slice %arg3[%add3A_4, %run_scoped3A_21, %dma_start3A_521] : memref<2500x2x128xi32, #tpu.memory_space<hbm>> -> memref<78x1x128xi32, #tpu.memory_space<hbm>>
      %dma_start3A_523 = tpu.memref_squeeze %dma_start3A_522 : memref<78x1x128xi32, #tpu.memory_space<hbm>> -> memref<78x128xi32, #tpu.memory_space<hbm>>
      tpu.enqueue_dma source(%dma_start3A_523 : memref<78x128xi32, #tpu.memory_space<hbm>>) target(%dma_start3A_520 : memref<78x128xi32, #tpu.memory_space<vmem>>) target_semaphore(%run_scoped3A_511 : memref<!tpu.dma_semaphore, #tpu.memory_space<semaphore_mem>>)
      %dma_wait3A_524 = arith.constant 0 : i32
      %dma_wait3A_525 = arith.constant 0 : i32
      %dma_wait3A_526 = tpu.memref_slice %arg7[%dma_wait3A_524, %dma_wait3A_525] : memref<79x128xi32, #tpu.memory_space<vmem>> -> memref<78x128xi32, #tpu.memory_space<vmem>>
      %dma_wait3A_527 = arith.constant 0 : i32
      %dma_wait3A_528 = tpu.memref_slice %arg3[%add3A_4, %run_scoped3A_21, %dma_wait3A_527] : memref<2500x2x128xi32, #tpu.memory_space<hbm>> -> memref<78x1x128xi32, #tpu.memory_space<hbm>>
      %dma_wait3A_529 = tpu.memref_squeeze %dma_wait3A_528 : memref<78x1x128xi32, #tpu.memory_space<hbm>> -> memref<78x128xi32, #tpu.memory_space<hbm>>
      %dma_wait3A_530 = arith.constant 0 : i32
      %dma_wait3A_531 = arith.constant 0 : i32
      %dma_wait3A_532 = tpu.memref_slice %arg7[%dma_wait3A_530, %dma_wait3A_531] : memref<79x128xi32, #tpu.memory_space<vmem>> -> memref<78x128xi32, #tpu.memory_space<vmem>>
      %dma_wait3A_533 = arith.constant 0 : i32
      %dma_wait3A_534 = tpu.memref_slice %arg3[%add3A_4, %run_scoped3A_21, %dma_wait3A_533] : memref<2500x2x128xi32, #tpu.memory_space<hbm>> -> memref<78x1x128xi32, #tpu.memory_space<hbm>>
      %dma_wait3A_535 = tpu.memref_squeeze %dma_wait3A_534 : memref<78x1x128xi32, #tpu.memory_space<hbm>> -> memref<78x128xi32, #tpu.memory_space<hbm>>
      tpu.wait_dma2 semaphore(%run_scoped3A_511 : memref<!tpu.dma_semaphore, #tpu.memory_space<semaphore_mem>>) src(%dma_wait3A_535 : memref<78x128xi32, #tpu.memory_space<hbm>>) dst(%dma_wait3A_532 : memref<78x128xi32, #tpu.memory_space<vmem>>)
      tpu.yield
    }) : () -> ()
    %lt3A_22 = arith.constant 4 : i32
    %lt3A_23 = arith.cmpi slt, %add3A, %lt3A_22 : i32
    %convert_element_type3A = arith.extui %lt3A_23 : i1 to i32
    %cond3A = arith.constant 0 : i32
    %cond3A_24 = arith.cmpi ne, %convert_element_type3A, %cond3A : i32
    scf.if %cond3A_24 {
      %add3A_511 = arith.constant 78 : i32
      %add3A_512 = arith.addi %add3A_4, %add3A_511 : i32
      %run_scoped3A_513 = arith.constant 1 : i32
      "tpu.region"() ({
        %run_scoped3A_517 = tpu.sem_alloc : memref<!tpu.dma_semaphore, #tpu.memory_space<semaphore_mem>>
        %dma_start3A_518 = arith.constant 78 : i32
        %dma_start3A_519 = arith.constant 0 : i32
        %dma_start3A_520 = tpu.memref_slice %arg6[%dma_start3A_518, %dma_start3A_519] : memref<79x128xi32, #tpu.memory_space<vmem>> -> memref<1x128xi32, #tpu.memory_space<vmem>>
        %dma_start3A_521 = arith.constant 0 : i32
        %dma_start3A_522 = tpu.memref_slice %arg3[%add3A_512, %run_scoped3A_513, %dma_start3A_521] : memref<2500x2x128xi32, #tpu.memory_space<hbm>> -> memref<1x1x128xi32, #tpu.memory_space<hbm>>
        %dma_start3A_523 = tpu.memref_squeeze %dma_start3A_522 : memref<1x1x128xi32, #tpu.memory_space<hbm>> -> memref<1x128xi32, #tpu.memory_space<hbm>>
        %dma_start3A_524 = arith.constant 78 : i32
        %dma_start3A_525 = arith.constant 0 : i32
        %dma_start3A_526 = tpu.memref_slice %arg6[%dma_start3A_524, %dma_start3A_525] : memref<79x128xi32, #tpu.memory_space<vmem>> -> memref<1x128xi32, #tpu.memory_space<vmem>>
        %dma_start3A_527 = arith.constant 0 : i32
        %dma_start3A_528 = tpu.memref_slice %arg3[%add3A_512, %run_scoped3A_513, %dma_start3A_527] : memref<2500x2x128xi32, #tpu.memory_space<hbm>> -> memref<1x1x128xi32, #tpu.memory_space<hbm>>
        %dma_start3A_529 = tpu.memref_squeeze %dma_start3A_528 : memref<1x1x128xi32, #tpu.memory_space<hbm>> -> memref<1x128xi32, #tpu.memory_space<hbm>>
        tpu.enqueue_dma source(%dma_start3A_529 : memref<1x128xi32, #tpu.memory_space<hbm>>) target(%dma_start3A_526 : memref<1x128xi32, #tpu.memory_space<vmem>>) target_semaphore(%run_scoped3A_517 : memref<!tpu.dma_semaphore, #tpu.memory_space<semaphore_mem>>)
        %dma_wait3A_530 = arith.constant 78 : i32
        %dma_wait3A_531 = arith.constant 0 : i32
        %dma_wait3A_532 = tpu.memref_slice %arg6[%dma_wait3A_530, %dma_wait3A_531] : memref<79x128xi32, #tpu.memory_space<vmem>> -> memref<1x128xi32, #tpu.memory_space<vmem>>
        %dma_wait3A_533 = arith.constant 0 : i32
        %dma_wait3A_534 = tpu.memref_slice %arg3[%add3A_512, %run_scoped3A_513, %dma_wait3A_533] : memref<2500x2x128xi32, #tpu.memory_space<hbm>> -> memref<1x1x128xi32, #tpu.memory_space<hbm>>
        %dma_wait3A_535 = tpu.memref_squeeze %dma_wait3A_534 : memref<1x1x128xi32, #tpu.memory_space<hbm>> -> memref<1x128xi32, #tpu.memory_space<hbm>>
        %dma_wait3A_536 = arith.constant 78 : i32
        %dma_wait3A_537 = arith.constant 0 : i32
        %dma_wait3A_538 = tpu.memref_slice %arg6[%dma_wait3A_536, %dma_wait3A_537] : memref<79x128xi32, #tpu.memory_space<vmem>> -> memref<1x128xi32, #tpu.memory_space<vmem>>
        %dma_wait3A_539 = arith.constant 0 : i32
        %dma_wait3A_540 = tpu.memref_slice %arg3[%add3A_512, %run_scoped3A_513, %dma_wait3A_539] : memref<2500x2x128xi32, #tpu.memory_space<hbm>> -> memref<1x1x128xi32, #tpu.memory_space<hbm>>
        %dma_wait3A_541 = tpu.memref_squeeze %dma_wait3A_540 : memref<1x1x128xi32, #tpu.memory_space<hbm>> -> memref<1x128xi32, #tpu.memory_space<hbm>>
        tpu.wait_dma2 semaphore(%run_scoped3A_517 : memref<!tpu.dma_semaphore, #tpu.memory_space<semaphore_mem>>) src(%dma_wait3A_541 : memref<1x128xi32, #tpu.memory_space<hbm>>) dst(%dma_wait3A_538 : memref<1x128xi32, #tpu.memory_space<vmem>>)
        tpu.yield
      }) : () -> ()
      %add3A_514 = arith.constant 78 : i32
      %add3A_515 = arith.addi %add3A_4, %add3A_514 : i32
      %run_scoped3A_516 = arith.constant 0 : i32
      "tpu.region"() ({
        %run_scoped3A_517 = tpu.sem_alloc : memref<!tpu.dma_semaphore, #tpu.memory_space<semaphore_mem>>
        %dma_start3A_518 = arith.constant 78 : i32
        %dma_start3A_519 = arith.constant 0 : i32
        %dma_start3A_520 = tpu.memref_slice %arg7[%dma_start3A_518, %dma_start3A_519] : memref<79x128xi32, #tpu.memory_space<vmem>> -> memref<1x128xi32, #tpu.memory_space<vmem>>
        %dma_start3A_521 = arith.constant 0 : i32
        %dma_start3A_522 = tpu.memref_slice %arg3[%add3A_515, %run_scoped3A_516, %dma_start3A_521] : memref<2500x2x128xi32, #tpu.memory_space<hbm>> -> memref<1x1x128xi32, #tpu.memory_space<hbm>>
        %dma_start3A_523 = tpu.memref_squeeze %dma_start3A_522 : memref<1x1x128xi32, #tpu.memory_space<hbm>> -> memref<1x128xi32, #tpu.memory_space<hbm>>
        %dma_start3A_524 = arith.constant 78 : i32
        %dma_start3A_525 = arith.constant 0 : i32
        %dma_start3A_526 = tpu.memref_slice %arg7[%dma_start3A_524, %dma_start3A_525] : memref<79x128xi32, #tpu.memory_space<vmem>> -> memref<1x128xi32, #tpu.memory_space<vmem>>
        %dma_start3A_527 = arith.constant 0 : i32
        %dma_start3A_528 = tpu.memref_slice %arg3[%add3A_515, %run_scoped3A_516, %dma_start3A_527] : memref<2500x2x128xi32, #tpu.memory_space<hbm>> -> memref<1x1x128xi32, #tpu.memory_space<hbm>>
        %dma_start3A_529 = tpu.memref_squeeze %dma_start3A_528 : memref<1x1x128xi32, #tpu.memory_space<hbm>> -> memref<1x128xi32, #tpu.memory_space<hbm>>
        tpu.enqueue_dma source(%dma_start3A_529 : memref<1x128xi32, #tpu.memory_space<hbm>>) target(%dma_start3A_526 : memref<1x128xi32, #tpu.memory_space<vmem>>) target_semaphore(%run_scoped3A_517 : memref<!tpu.dma_semaphore, #tpu.memory_space<semaphore_mem>>)
        %dma_wait3A_530 = arith.constant 78 : i32
        %dma_wait3A_531 = arith.constant 0 : i32
        %dma_wait3A_532 = tpu.memref_slice %arg7[%dma_wait3A_530, %dma_wait3A_531] : memref<79x128xi32, #tpu.memory_space<vmem>> -> memref<1x128xi32, #tpu.memory_space<vmem>>
        %dma_wait3A_533 = arith.constant 0 : i32
        %dma_wait3A_534 = tpu.memref_slice %arg3[%add3A_515, %run_scoped3A_516, %dma_wait3A_533] : memref<2500x2x128xi32, #tpu.memory_space<hbm>> -> memref<1x1x128xi32, #tpu.memory_space<hbm>>
        %dma_wait3A_535 = tpu.memref_squeeze %dma_wait3A_534 : memref<1x1x128xi32, #tpu.memory_space<hbm>> -> memref<1x128xi32, #tpu.memory_space<hbm>>
        %dma_wait3A_536 = arith.constant 78 : i32
        %dma_wait3A_537 = arith.constant 0 : i32
        %dma_wait3A_538 = tpu.memref_slice %arg7[%dma_wait3A_536, %dma_wait3A_537] : memref<79x128xi32, #tpu.memory_space<vmem>> -> memref<1x128xi32, #tpu.memory_space<vmem>>
        %dma_wait3A_539 = arith.constant 0 : i32
        %dma_wait3A_540 = tpu.memref_slice %arg3[%add3A_515, %run_scoped3A_516, %dma_wait3A_539] : memref<2500x2x128xi32, #tpu.memory_space<hbm>> -> memref<1x1x128xi32, #tpu.memory_space<hbm>>
        %dma_wait3A_541 = tpu.memref_squeeze %dma_wait3A_540 : memref<1x1x128xi32, #tpu.memory_space<hbm>> -> memref<1x128xi32, #tpu.memory_space<hbm>>
        tpu.wait_dma2 semaphore(%run_scoped3A_517 : memref<!tpu.dma_semaphore, #tpu.memory_space<semaphore_mem>>) src(%dma_wait3A_541 : memref<1x128xi32, #tpu.memory_space<hbm>>) dst(%dma_wait3A_538 : memref<1x128xi32, #tpu.memory_space<vmem>>)
        tpu.yield
      }) : () -> ()
    } else {
    }
    %barrier3A = arith.constant 0 : index
    tpu.barrier barrier_id(%barrier3A)
    %rem3A = arith.constant 0 : i32
    %rem3A_25 = arith.constant 16 : i32
    %rem3A_26 = arith.remsi %rem3A, %rem3A_25 : i32
    %dma_start3A = arith.constant 0 : i32
    %dma_start3A_27 = arith.constant 0 : i32
    %dma_start3A_28 = arith.constant 0 : i32
    %dma_start3A_29 = tpu.memref_slice %arg8[%rem3A_26, %dma_start3A_27, %dma_start3A_28] : memref<16x128x32xf32, #tpu.memory_space<vmem>> -> memref<1x128x32xf32, #tpu.memory_space<vmem>>
    %dma_start3A_30 = tpu.memref_squeeze %dma_start3A_29 : memref<1x128x32xf32, #tpu.memory_space<vmem>> -> memref<128x32xf32, #tpu.memory_space<vmem>>
    %dma_start3A_31 = arith.constant 0 : i32
    %dma_start3A_32 = tpu.memref_slice %arg6[%dma_start3A, %dma_start3A_31] : memref<79x128xi32, #tpu.memory_space<vmem>> -> memref<1x128xi32, #tpu.memory_space<vmem>>
    %dma_start3A_33 = tpu.memref_squeeze %dma_start3A_32 : memref<1x128xi32, #tpu.memory_space<vmem>> -> memref<128xi32, #tpu.memory_space<vmem>>
    %dma_start3A_34 = arith.constant 0 : i32
    %dma_start3A_35 = arith.constant 0 : i32
    %dma_start3A_36 = tpu.memref_slice %arg10[%dma_start3A_34, %dma_start3A_35] : memref<10000x32xf32, #tpu.memory_space<vmem_shared>> -> memref<10000x32xf32, #tpu.memory_space<vmem_shared>>
    tpu.enqueue_indirect_dma source(%dma_start3A_36 : memref<10000x32xf32, #tpu.memory_space<vmem_shared>>) target(%dma_start3A_30 : memref<128x32xf32, #tpu.memory_space<vmem>>) offsets(%dma_start3A_33 : memref<128xi32, #tpu.memory_space<vmem>>) semaphore(%arg11 : memref<!tpu.dma_semaphore, #tpu.memory_space<semaphore_mem>>)
    %rem3A_37 = arith.constant 1 : i32
    %rem3A_38 = arith.constant 16 : i32
    %rem3A_39 = arith.remsi %rem3A_37, %rem3A_38 : i32
    %dma_start3A_40 = arith.constant 1 : i32
    %dma_start3A_41 = arith.constant 0 : i32
    %dma_start3A_42 = arith.constant 0 : i32
    %dma_start3A_43 = tpu.memref_slice %arg8[%rem3A_39, %dma_start3A_41, %dma_start3A_42] : memref<16x128x32xf32, #tpu.memory_space<vmem>> -> memref<1x128x32xf32, #tpu.memory_space<vmem>>
    %dma_start3A_44 = tpu.memref_squeeze %dma_start3A_43 : memref<1x128x32xf32, #tpu.memory_space<vmem>> -> memref<128x32xf32, #tpu.memory_space<vmem>>
    %dma_start3A_45 = arith.constant 0 : i32
    %dma_start3A_46 = tpu.memref_slice %arg6[%dma_start3A_40, %dma_start3A_45] : memref<79x128xi32, #tpu.memory_space<vmem>> -> memref<1x128xi32, #tpu.memory_space<vmem>>
    %dma_start3A_47 = tpu.memref_squeeze %dma_start3A_46 : memref<1x128xi32, #tpu.memory_space<vmem>> -> memref<128xi32, #tpu.memory_space<vmem>>
    %dma_start3A_48 = arith.constant 0 : i32
    %dma_start3A_49 = arith.constant 0 : i32
    %dma_start3A_50 = tpu.memref_slice %arg10[%dma_start3A_48, %dma_start3A_49] : memref<10000x32xf32, #tpu.memory_space<vmem_shared>> -> memref<10000x32xf32, #tpu.memory_space<vmem_shared>>
    tpu.enqueue_indirect_dma source(%dma_start3A_50 : memref<10000x32xf32, #tpu.memory_space<vmem_shared>>) target(%dma_start3A_44 : memref<128x32xf32, #tpu.memory_space<vmem>>) offsets(%dma_start3A_47 : memref<128xi32, #tpu.memory_space<vmem>>) semaphore(%arg11 : memref<!tpu.dma_semaphore, #tpu.memory_space<semaphore_mem>>)
    %rem3A_51 = arith.constant 2 : i32
    %rem3A_52 = arith.constant 16 : i32
    %rem3A_53 = arith.remsi %rem3A_51, %rem3A_52 : i32
    %dma_start3A_54 = arith.constant 2 : i32
    %dma_start3A_55 = arith.constant 0 : i32
    %dma_start3A_56 = arith.constant 0 : i32
    %dma_start3A_57 = tpu.memref_slice %arg8[%rem3A_53, %dma_start3A_55, %dma_start3A_56] : memref<16x128x32xf32, #tpu.memory_space<vmem>> -> memref<1x128x32xf32, #tpu.memory_space<vmem>>
    %dma_start3A_58 = tpu.memref_squeeze %dma_start3A_57 : memref<1x128x32xf32, #tpu.memory_space<vmem>> -> memref<128x32xf32, #tpu.memory_space<vmem>>
    %dma_start3A_59 = arith.constant 0 : i32
    %dma_start3A_60 = tpu.memref_slice %arg6[%dma_start3A_54, %dma_start3A_59] : memref<79x128xi32, #tpu.memory_space<vmem>> -> memref<1x128xi32, #tpu.memory_space<vmem>>
    %dma_start3A_61 = tpu.memref_squeeze %dma_start3A_60 : memref<1x128xi32, #tpu.memory_space<vmem>> -> memref<128xi32, #tpu.memory_space<vmem>>
    %dma_start3A_62 = arith.constant 0 : i32
    %dma_start3A_63 = arith.constant 0 : i32
    %dma_start3A_64 = tpu.memref_slice %arg10[%dma_start3A_62, %dma_start3A_63] : memref<10000x32xf32, #tpu.memory_space<vmem_shared>> -> memref<10000x32xf32, #tpu.memory_space<vmem_shared>>
    tpu.enqueue_indirect_dma source(%dma_start3A_64 : memref<10000x32xf32, #tpu.memory_space<vmem_shared>>) target(%dma_start3A_58 : memref<128x32xf32, #tpu.memory_space<vmem>>) offsets(%dma_start3A_61 : memref<128xi32, #tpu.memory_space<vmem>>) semaphore(%arg11 : memref<!tpu.dma_semaphore, #tpu.memory_space<semaphore_mem>>)
    %rem3A_65 = arith.constant 3 : i32
    %rem3A_66 = arith.constant 16 : i32
    %rem3A_67 = arith.remsi %rem3A_65, %rem3A_66 : i32
    %dma_start3A_68 = arith.constant 3 : i32
    %dma_start3A_69 = arith.constant 0 : i32
    %dma_start3A_70 = arith.constant 0 : i32
    %dma_start3A_71 = tpu.memref_slice %arg8[%rem3A_67, %dma_start3A_69, %dma_start3A_70] : memref<16x128x32xf32, #tpu.memory_space<vmem>> -> memref<1x128x32xf32, #tpu.memory_space<vmem>>
    %dma_start3A_72 = tpu.memref_squeeze %dma_start3A_71 : memref<1x128x32xf32, #tpu.memory_space<vmem>> -> memref<128x32xf32, #tpu.memory_space<vmem>>
    %dma_start3A_73 = arith.constant 0 : i32
    %dma_start3A_74 = tpu.memref_slice %arg6[%dma_start3A_68, %dma_start3A_73] : memref<79x128xi32, #tpu.memory_space<vmem>> -> memref<1x128xi32, #tpu.memory_space<vmem>>
    %dma_start3A_75 = tpu.memref_squeeze %dma_start3A_74 : memref<1x128xi32, #tpu.memory_space<vmem>> -> memref<128xi32, #tpu.memory_space<vmem>>
    %dma_start3A_76 = arith.constant 0 : i32
    %dma_start3A_77 = arith.constant 0 : i32
    %dma_start3A_78 = tpu.memref_slice %arg10[%dma_start3A_76, %dma_start3A_77] : memref<10000x32xf32, #tpu.memory_space<vmem_shared>> -> memref<10000x32xf32, #tpu.memory_space<vmem_shared>>
    tpu.enqueue_indirect_dma source(%dma_start3A_78 : memref<10000x32xf32, #tpu.memory_space<vmem_shared>>) target(%dma_start3A_72 : memref<128x32xf32, #tpu.memory_space<vmem>>) offsets(%dma_start3A_75 : memref<128xi32, #tpu.memory_space<vmem>>) semaphore(%arg11 : memref<!tpu.dma_semaphore, #tpu.memory_space<semaphore_mem>>)
    %rem3A_79 = arith.constant 4 : i32
    %rem3A_80 = arith.constant 16 : i32
    %rem3A_81 = arith.remsi %rem3A_79, %rem3A_80 : i32
    %dma_start3A_82 = arith.constant 4 : i32
    %dma_start3A_83 = arith.constant 0 : i32
    %dma_start3A_84 = arith.constant 0 : i32
    %dma_start3A_85 = tpu.memref_slice %arg8[%rem3A_81, %dma_start3A_83, %dma_start3A_84] : memref<16x128x32xf32, #tpu.memory_space<vmem>> -> memref<1x128x32xf32, #tpu.memory_space<vmem>>
    %dma_start3A_86 = tpu.memref_squeeze %dma_start3A_85 : memref<1x128x32xf32, #tpu.memory_space<vmem>> -> memref<128x32xf32, #tpu.memory_space<vmem>>
    %dma_start3A_87 = arith.constant 0 : i32
    %dma_start3A_88 = tpu.memref_slice %arg6[%dma_start3A_82, %dma_start3A_87] : memref<79x128xi32, #tpu.memory_space<vmem>> -> memref<1x128xi32, #tpu.memory_space<vmem>>
    %dma_start3A_89 = tpu.memref_squeeze %dma_start3A_88 : memref<1x128xi32, #tpu.memory_space<vmem>> -> memref<128xi32, #tpu.memory_space<vmem>>
    %dma_start3A_90 = arith.constant 0 : i32
    %dma_start3A_91 = arith.constant 0 : i32
    %dma_start3A_92 = tpu.memref_slice %arg10[%dma_start3A_90, %dma_start3A_91] : memref<10000x32xf32, #tpu.memory_space<vmem_shared>> -> memref<10000x32xf32, #tpu.memory_space<vmem_shared>>
    tpu.enqueue_indirect_dma source(%dma_start3A_92 : memref<10000x32xf32, #tpu.memory_space<vmem_shared>>) target(%dma_start3A_86 : memref<128x32xf32, #tpu.memory_space<vmem>>) offsets(%dma_start3A_89 : memref<128xi32, #tpu.memory_space<vmem>>) semaphore(%arg11 : memref<!tpu.dma_semaphore, #tpu.memory_space<semaphore_mem>>)
    %rem3A_93 = arith.constant 5 : i32
    %rem3A_94 = arith.constant 16 : i32
    %rem3A_95 = arith.remsi %rem3A_93, %rem3A_94 : i32
    %dma_start3A_96 = arith.constant 5 : i32
    %dma_start3A_97 = arith.constant 0 : i32
    %dma_start3A_98 = arith.constant 0 : i32
    %dma_start3A_99 = tpu.memref_slice %arg8[%rem3A_95, %dma_start3A_97, %dma_start3A_98] : memref<16x128x32xf32, #tpu.memory_space<vmem>> -> memref<1x128x32xf32, #tpu.memory_space<vmem>>
    %dma_start3A_100 = tpu.memref_squeeze %dma_start3A_99 : memref<1x128x32xf32, #tpu.memory_space<vmem>> -> memref<128x32xf32, #tpu.memory_space<vmem>>
    %dma_start3A_101 = arith.constant 0 : i32
    %dma_start3A_102 = tpu.memref_slice %arg6[%dma_start3A_96, %dma_start3A_101] : memref<79x128xi32, #tpu.memory_space<vmem>> -> memref<1x128xi32, #tpu.memory_space<vmem>>
    %dma_start3A_103 = tpu.memref_squeeze %dma_start3A_102 : memref<1x128xi32, #tpu.memory_space<vmem>> -> memref<128xi32, #tpu.memory_space<vmem>>
    %dma_start3A_104 = arith.constant 0 : i32
    %dma_start3A_105 = arith.constant 0 : i32
    %dma_start3A_106 = tpu.memref_slice %arg10[%dma_start3A_104, %dma_start3A_105] : memref<10000x32xf32, #tpu.memory_space<vmem_shared>> -> memref<10000x32xf32, #tpu.memory_space<vmem_shared>>
    tpu.enqueue_indirect_dma source(%dma_start3A_106 : memref<10000x32xf32, #tpu.memory_space<vmem_shared>>) target(%dma_start3A_100 : memref<128x32xf32, #tpu.memory_space<vmem>>) offsets(%dma_start3A_103 : memref<128xi32, #tpu.memory_space<vmem>>) semaphore(%arg11 : memref<!tpu.dma_semaphore, #tpu.memory_space<semaphore_mem>>)
    %rem3A_107 = arith.constant 6 : i32
    %rem3A_108 = arith.constant 16 : i32
    %rem3A_109 = arith.remsi %rem3A_107, %rem3A_108 : i32
    %dma_start3A_110 = arith.constant 6 : i32
    %dma_start3A_111 = arith.constant 0 : i32
    %dma_start3A_112 = arith.constant 0 : i32
    %dma_start3A_113 = tpu.memref_slice %arg8[%rem3A_109, %dma_start3A_111, %dma_start3A_112] : memref<16x128x32xf32, #tpu.memory_space<vmem>> -> memref<1x128x32xf32, #tpu.memory_space<vmem>>
    %dma_start3A_114 = tpu.memref_squeeze %dma_start3A_113 : memref<1x128x32xf32, #tpu.memory_space<vmem>> -> memref<128x32xf32, #tpu.memory_space<vmem>>
    %dma_start3A_115 = arith.constant 0 : i32
    %dma_start3A_116 = tpu.memref_slice %arg6[%dma_start3A_110, %dma_start3A_115] : memref<79x128xi32, #tpu.memory_space<vmem>> -> memref<1x128xi32, #tpu.memory_space<vmem>>
    %dma_start3A_117 = tpu.memref_squeeze %dma_start3A_116 : memref<1x128xi32, #tpu.memory_space<vmem>> -> memref<128xi32, #tpu.memory_space<vmem>>
    %dma_start3A_118 = arith.constant 0 : i32
    %dma_start3A_119 = arith.constant 0 : i32
    %dma_start3A_120 = tpu.memref_slice %arg10[%dma_start3A_118, %dma_start3A_119] : memref<10000x32xf32, #tpu.memory_space<vmem_shared>> -> memref<10000x32xf32, #tpu.memory_space<vmem_shared>>
    tpu.enqueue_indirect_dma source(%dma_start3A_120 : memref<10000x32xf32, #tpu.memory_space<vmem_shared>>) target(%dma_start3A_114 : memref<128x32xf32, #tpu.memory_space<vmem>>) offsets(%dma_start3A_117 : memref<128xi32, #tpu.memory_space<vmem>>) semaphore(%arg11 : memref<!tpu.dma_semaphore, #tpu.memory_space<semaphore_mem>>)
    %rem3A_121 = arith.constant 7 : i32
    %rem3A_122 = arith.constant 16 : i32
    %rem3A_123 = arith.remsi %rem3A_121, %rem3A_122 : i32
    %dma_start3A_124 = arith.constant 7 : i32
    %dma_start3A_125 = arith.constant 0 : i32
    %dma_start3A_126 = arith.constant 0 : i32
    %dma_start3A_127 = tpu.memref_slice %arg8[%rem3A_123, %dma_start3A_125, %dma_start3A_126] : memref<16x128x32xf32, #tpu.memory_space<vmem>> -> memref<1x128x32xf32, #tpu.memory_space<vmem>>
    %dma_start3A_128 = tpu.memref_squeeze %dma_start3A_127 : memref<1x128x32xf32, #tpu.memory_space<vmem>> -> memref<128x32xf32, #tpu.memory_space<vmem>>
    %dma_start3A_129 = arith.constant 0 : i32
    %dma_start3A_130 = tpu.memref_slice %arg6[%dma_start3A_124, %dma_start3A_129] : memref<79x128xi32, #tpu.memory_space<vmem>> -> memref<1x128xi32, #tpu.memory_space<vmem>>
    %dma_start3A_131 = tpu.memref_squeeze %dma_start3A_130 : memref<1x128xi32, #tpu.memory_space<vmem>> -> memref<128xi32, #tpu.memory_space<vmem>>
    %dma_start3A_132 = arith.constant 0 : i32
    %dma_start3A_133 = arith.constant 0 : i32
    %dma_start3A_134 = tpu.memref_slice %arg10[%dma_start3A_132, %dma_start3A_133] : memref<10000x32xf32, #tpu.memory_space<vmem_shared>> -> memref<10000x32xf32, #tpu.memory_space<vmem_shared>>
    tpu.enqueue_indirect_dma source(%dma_start3A_134 : memref<10000x32xf32, #tpu.memory_space<vmem_shared>>) target(%dma_start3A_128 : memref<128x32xf32, #tpu.memory_space<vmem>>) offsets(%dma_start3A_131 : memref<128xi32, #tpu.memory_space<vmem>>) semaphore(%arg11 : memref<!tpu.dma_semaphore, #tpu.memory_space<semaphore_mem>>)
    %rem3A_135 = arith.constant 8 : i32
    %rem3A_136 = arith.constant 16 : i32
    %rem3A_137 = arith.remsi %rem3A_135, %rem3A_136 : i32
    %dma_start3A_138 = arith.constant 8 : i32
    %dma_start3A_139 = arith.constant 0 : i32
    %dma_start3A_140 = arith.constant 0 : i32
    %dma_start3A_141 = tpu.memref_slice %arg8[%rem3A_137, %dma_start3A_139, %dma_start3A_140] : memref<16x128x32xf32, #tpu.memory_space<vmem>> -> memref<1x128x32xf32, #tpu.memory_space<vmem>>
    %dma_start3A_142 = tpu.memref_squeeze %dma_start3A_141 : memref<1x128x32xf32, #tpu.memory_space<vmem>> -> memref<128x32xf32, #tpu.memory_space<vmem>>
    %dma_start3A_143 = arith.constant 0 : i32
    %dma_start3A_144 = tpu.memref_slice %arg6[%dma_start3A_138, %dma_start3A_143] : memref<79x128xi32, #tpu.memory_space<vmem>> -> memref<1x128xi32, #tpu.memory_space<vmem>>
    %dma_start3A_145 = tpu.memref_squeeze %dma_start3A_144 : memref<1x128xi32, #tpu.memory_space<vmem>> -> memref<128xi32, #tpu.memory_space<vmem>>
    %dma_start3A_146 = arith.constant 0 : i32
    %dma_start3A_147 = arith.constant 0 : i32
    %dma_start3A_148 = tpu.memref_slice %arg10[%dma_start3A_146, %dma_start3A_147] : memref<10000x32xf32, #tpu.memory_space<vmem_shared>> -> memref<10000x32xf32, #tpu.memory_space<vmem_shared>>
    tpu.enqueue_indirect_dma source(%dma_start3A_148 : memref<10000x32xf32, #tpu.memory_space<vmem_shared>>) target(%dma_start3A_142 : memref<128x32xf32, #tpu.memory_space<vmem>>) offsets(%dma_start3A_145 : memref<128xi32, #tpu.memory_space<vmem>>) semaphore(%arg11 : memref<!tpu.dma_semaphore, #tpu.memory_space<semaphore_mem>>)
    %rem3A_149 = arith.constant 0 : i32
    %rem3A_150 = arith.constant 16 : i32
    %rem3A_151 = arith.remsi %rem3A_149, %rem3A_150 : i32
    %dma_wait3A = arith.constant 0 : i32
    %dma_wait3A_152 = arith.constant 0 : i32
    %dma_wait3A_153 = arith.constant 0 : i32
    %dma_wait3A_154 = tpu.memref_slice %arg8[%rem3A_151, %dma_wait3A_152, %dma_wait3A_153] : memref<16x128x32xf32, #tpu.memory_space<vmem>> -> memref<1x128x32xf32, #tpu.memory_space<vmem>>
    %dma_wait3A_155 = tpu.memref_squeeze %dma_wait3A_154 : memref<1x128x32xf32, #tpu.memory_space<vmem>> -> memref<128x32xf32, #tpu.memory_space<vmem>>
    %dma_wait3A_156 = arith.constant 0 : i32
    %dma_wait3A_157 = tpu.memref_slice %arg6[%dma_wait3A, %dma_wait3A_156] : memref<79x128xi32, #tpu.memory_space<vmem>> -> memref<1x128xi32, #tpu.memory_space<vmem>>
    %dma_wait3A_158 = tpu.memref_squeeze %dma_wait3A_157 : memref<1x128xi32, #tpu.memory_space<vmem>> -> memref<128xi32, #tpu.memory_space<vmem>>
    %dma_wait3A_159 = arith.constant 0 : i32
    %dma_wait3A_160 = arith.constant 0 : i32
    %dma_wait3A_161 = tpu.memref_slice %arg10[%dma_wait3A_159, %dma_wait3A_160] : memref<10000x32xf32, #tpu.memory_space<vmem_shared>> -> memref<10000x32xf32, #tpu.memory_space<vmem_shared>>
    tpu.wait_indirect_dma semaphore(%arg11 : memref<!tpu.dma_semaphore, #tpu.memory_space<semaphore_mem>>) src(%dma_wait3A_161 : memref<10000x32xf32, #tpu.memory_space<vmem_shared>>) dst(%dma_wait3A_155 : memref<128x32xf32, #tpu.memory_space<vmem>>)
    %rem3A_162 = arith.constant 0 : i32
    %rem3A_163 = arith.constant 16 : i32
    %rem3A_164 = arith.remsi %rem3A_162, %rem3A_163 : i32
    %dma_start3A_165 = arith.constant 0 : i32
    %dma_start3A_166 = arith.constant 0 : i32
    %dma_start3A_167 = arith.constant 0 : i32
    %dma_start3A_168 = tpu.memref_slice %arg8[%rem3A_164, %dma_start3A_166, %dma_start3A_167] : memref<16x128x32xf32, #tpu.memory_space<vmem>> -> memref<1x128x32xf32, #tpu.memory_space<vmem>>
    %dma_start3A_169 = tpu.memref_squeeze %dma_start3A_168 : memref<1x128x32xf32, #tpu.memory_space<vmem>> -> memref<128x32xf32, #tpu.memory_space<vmem>>
    %dma_start3A_170 = arith.constant 0 : i32
    %dma_start3A_171 = tpu.memref_slice %arg7[%dma_start3A_165, %dma_start3A_170] : memref<79x128xi32, #tpu.memory_space<vmem>> -> memref<1x128xi32, #tpu.memory_space<vmem>>
    %dma_start3A_172 = tpu.memref_squeeze %dma_start3A_171 : memref<1x128xi32, #tpu.memory_space<vmem>> -> memref<128xi32, #tpu.memory_space<vmem>>
    %dma_start3A_173 = arith.constant 0 : i32
    %dma_start3A_174 = arith.constant 0 : i32
    %dma_start3A_175 = tpu.memref_slice %arg9[%dma_start3A_173, %dma_start3A_174] : memref<10240x32xf32, #tpu.memory_space<vmem_shared>> -> memref<10240x32xf32, #tpu.memory_space<vmem_shared>>
    tpu.enqueue_indirect_dma source(%dma_start3A_169 : memref<128x32xf32, #tpu.memory_space<vmem>>) target(%dma_start3A_175 : memref<10240x32xf32, #tpu.memory_space<vmem_shared>>) offsets(%dma_start3A_172 : memref<128xi32, #tpu.memory_space<vmem>>) semaphore(%arg12 : memref<!tpu.dma_semaphore, #tpu.memory_space<semaphore_mem>>) {add = true}
    %rem3A_176 = arith.constant 9 : i32
    %rem3A_177 = arith.constant 16 : i32
    %rem3A_178 = arith.remsi %rem3A_176, %rem3A_177 : i32
    %dma_start3A_179 = arith.constant 9 : i32
    %dma_start3A_180 = arith.constant 0 : i32
    %dma_start3A_181 = arith.constant 0 : i32
    %dma_start3A_182 = tpu.memref_slice %arg8[%rem3A_178, %dma_start3A_180, %dma_start3A_181] : memref<16x128x32xf32, #tpu.memory_space<vmem>> -> memref<1x128x32xf32, #tpu.memory_space<vmem>>
    %dma_start3A_183 = tpu.memref_squeeze %dma_start3A_182 : memref<1x128x32xf32, #tpu.memory_space<vmem>> -> memref<128x32xf32, #tpu.memory_space<vmem>>
    %dma_start3A_184 = arith.constant 0 : i32
    %dma_start3A_185 = tpu.memref_slice %arg6[%dma_start3A_179, %dma_start3A_184] : memref<79x128xi32, #tpu.memory_space<vmem>> -> memref<1x128xi32, #tpu.memory_space<vmem>>
    %dma_start3A_186 = tpu.memref_squeeze %dma_start3A_185 : memref<1x128xi32, #tpu.memory_space<vmem>> -> memref<128xi32, #tpu.memory_space<vmem>>
    %dma_start3A_187 = arith.constant 0 : i32
    %dma_start3A_188 = arith.constant 0 : i32
    %dma_start3A_189 = tpu.memref_slice %arg10[%dma_start3A_187, %dma_start3A_188] : memref<10000x32xf32, #tpu.memory_space<vmem_shared>> -> memref<10000x32xf32, #tpu.memory_space<vmem_shared>>
    tpu.enqueue_indirect_dma source(%dma_start3A_189 : memref<10000x32xf32, #tpu.memory_space<vmem_shared>>) target(%dma_start3A_183 : memref<128x32xf32, #tpu.memory_space<vmem>>) offsets(%dma_start3A_186 : memref<128xi32, #tpu.memory_space<vmem>>) semaphore(%arg11 : memref<!tpu.dma_semaphore, #tpu.memory_space<semaphore_mem>>)
    %rem3A_190 = arith.constant 1 : i32
    %rem3A_191 = arith.constant 16 : i32
    %rem3A_192 = arith.remsi %rem3A_190, %rem3A_191 : i32
    %dma_wait3A_193 = arith.constant 1 : i32
    %dma_wait3A_194 = arith.constant 0 : i32
    %dma_wait3A_195 = arith.constant 0 : i32
    %dma_wait3A_196 = tpu.memref_slice %arg8[%rem3A_192, %dma_wait3A_194, %dma_wait3A_195] : memref<16x128x32xf32, #tpu.memory_space<vmem>> -> memref<1x128x32xf32, #tpu.memory_space<vmem>>
    %dma_wait3A_197 = tpu.memref_squeeze %dma_wait3A_196 : memref<1x128x32xf32, #tpu.memory_space<vmem>> -> memref<128x32xf32, #tpu.memory_space<vmem>>
    %dma_wait3A_198 = arith.constant 0 : i32
    %dma_wait3A_199 = tpu.memref_slice %arg6[%dma_wait3A_193, %dma_wait3A_198] : memref<79x128xi32, #tpu.memory_space<vmem>> -> memref<1x128xi32, #tpu.memory_space<vmem>>
    %dma_wait3A_200 = tpu.memref_squeeze %dma_wait3A_199 : memref<1x128xi32, #tpu.memory_space<vmem>> -> memref<128xi32, #tpu.memory_space<vmem>>
    %dma_wait3A_201 = arith.constant 0 : i32
    %dma_wait3A_202 = arith.constant 0 : i32
    %dma_wait3A_203 = tpu.memref_slice %arg10[%dma_wait3A_201, %dma_wait3A_202] : memref<10000x32xf32, #tpu.memory_space<vmem_shared>> -> memref<10000x32xf32, #tpu.memory_space<vmem_shared>>
    tpu.wait_indirect_dma semaphore(%arg11 : memref<!tpu.dma_semaphore, #tpu.memory_space<semaphore_mem>>) src(%dma_wait3A_203 : memref<10000x32xf32, #tpu.memory_space<vmem_shared>>) dst(%dma_wait3A_197 : memref<128x32xf32, #tpu.memory_space<vmem>>)
    %rem3A_204 = arith.constant 1 : i32
    %rem3A_205 = arith.constant 16 : i32
    %rem3A_206 = arith.remsi %rem3A_204, %rem3A_205 : i32
    %dma_start3A_207 = arith.constant 1 : i32
    %dma_start3A_208 = arith.constant 0 : i32
    %dma_start3A_209 = arith.constant 0 : i32
    %dma_start3A_210 = tpu.memref_slice %arg8[%rem3A_206, %dma_start3A_208, %dma_start3A_209] : memref<16x128x32xf32, #tpu.memory_space<vmem>> -> memref<1x128x32xf32, #tpu.memory_space<vmem>>
    %dma_start3A_211 = tpu.memref_squeeze %dma_start3A_210 : memref<1x128x32xf32, #tpu.memory_space<vmem>> -> memref<128x32xf32, #tpu.memory_space<vmem>>
    %dma_start3A_212 = arith.constant 0 : i32
    %dma_start3A_213 = tpu.memref_slice %arg7[%dma_start3A_207, %dma_start3A_212] : memref<79x128xi32, #tpu.memory_space<vmem>> -> memref<1x128xi32, #tpu.memory_space<vmem>>
    %dma_start3A_214 = tpu.memref_squeeze %dma_start3A_213 : memref<1x128xi32, #tpu.memory_space<vmem>> -> memref<128xi32, #tpu.memory_space<vmem>>
    %dma_start3A_215 = arith.constant 0 : i32
    %dma_start3A_216 = arith.constant 0 : i32
    %dma_start3A_217 = tpu.memref_slice %arg9[%dma_start3A_215, %dma_start3A_216] : memref<10240x32xf32, #tpu.memory_space<vmem_shared>> -> memref<10240x32xf32, #tpu.memory_space<vmem_shared>>
    tpu.enqueue_indirect_dma source(%dma_start3A_211 : memref<128x32xf32, #tpu.memory_space<vmem>>) target(%dma_start3A_217 : memref<10240x32xf32, #tpu.memory_space<vmem_shared>>) offsets(%dma_start3A_214 : memref<128xi32, #tpu.memory_space<vmem>>) semaphore(%arg12 : memref<!tpu.dma_semaphore, #tpu.memory_space<semaphore_mem>>) {add = true}
    %rem3A_218 = arith.constant 10 : i32
    %rem3A_219 = arith.constant 16 : i32
    %rem3A_220 = arith.remsi %rem3A_218, %rem3A_219 : i32
    %dma_start3A_221 = arith.constant 10 : i32
    %dma_start3A_222 = arith.constant 0 : i32
    %dma_start3A_223 = arith.constant 0 : i32
    %dma_start3A_224 = tpu.memref_slice %arg8[%rem3A_220, %dma_start3A_222, %dma_start3A_223] : memref<16x128x32xf32, #tpu.memory_space<vmem>> -> memref<1x128x32xf32, #tpu.memory_space<vmem>>
    %dma_start3A_225 = tpu.memref_squeeze %dma_start3A_224 : memref<1x128x32xf32, #tpu.memory_space<vmem>> -> memref<128x32xf32, #tpu.memory_space<vmem>>
    %dma_start3A_226 = arith.constant 0 : i32
    %dma_start3A_227 = tpu.memref_slice %arg6[%dma_start3A_221, %dma_start3A_226] : memref<79x128xi32, #tpu.memory_space<vmem>> -> memref<1x128xi32, #tpu.memory_space<vmem>>
    %dma_start3A_228 = tpu.memref_squeeze %dma_start3A_227 : memref<1x128xi32, #tpu.memory_space<vmem>> -> memref<128xi32, #tpu.memory_space<vmem>>
    %dma_start3A_229 = arith.constant 0 : i32
    %dma_start3A_230 = arith.constant 0 : i32
    %dma_start3A_231 = tpu.memref_slice %arg10[%dma_start3A_229, %dma_start3A_230] : memref<10000x32xf32, #tpu.memory_space<vmem_shared>> -> memref<10000x32xf32, #tpu.memory_space<vmem_shared>>
    tpu.enqueue_indirect_dma source(%dma_start3A_231 : memref<10000x32xf32, #tpu.memory_space<vmem_shared>>) target(%dma_start3A_225 : memref<128x32xf32, #tpu.memory_space<vmem>>) offsets(%dma_start3A_228 : memref<128xi32, #tpu.memory_space<vmem>>) semaphore(%arg11 : memref<!tpu.dma_semaphore, #tpu.memory_space<semaphore_mem>>)
    %rem3A_232 = arith.constant 2 : i32
    %rem3A_233 = arith.constant 16 : i32
    %rem3A_234 = arith.remsi %rem3A_232, %rem3A_233 : i32
    %dma_wait3A_235 = arith.constant 2 : i32
    %dma_wait3A_236 = arith.constant 0 : i32
    %dma_wait3A_237 = arith.constant 0 : i32
    %dma_wait3A_238 = tpu.memref_slice %arg8[%rem3A_234, %dma_wait3A_236, %dma_wait3A_237] : memref<16x128x32xf32, #tpu.memory_space<vmem>> -> memref<1x128x32xf32, #tpu.memory_space<vmem>>
    %dma_wait3A_239 = tpu.memref_squeeze %dma_wait3A_238 : memref<1x128x32xf32, #tpu.memory_space<vmem>> -> memref<128x32xf32, #tpu.memory_space<vmem>>
    %dma_wait3A_240 = arith.constant 0 : i32
    %dma_wait3A_241 = tpu.memref_slice %arg6[%dma_wait3A_235, %dma_wait3A_240] : memref<79x128xi32, #tpu.memory_space<vmem>> -> memref<1x128xi32, #tpu.memory_space<vmem>>
    %dma_wait3A_242 = tpu.memref_squeeze %dma_wait3A_241 : memref<1x128xi32, #tpu.memory_space<vmem>> -> memref<128xi32, #tpu.memory_space<vmem>>
    %dma_wait3A_243 = arith.constant 0 : i32
    %dma_wait3A_244 = arith.constant 0 : i32
    %dma_wait3A_245 = tpu.memref_slice %arg10[%dma_wait3A_243, %dma_wait3A_244] : memref<10000x32xf32, #tpu.memory_space<vmem_shared>> -> memref<10000x32xf32, #tpu.memory_space<vmem_shared>>
    tpu.wait_indirect_dma semaphore(%arg11 : memref<!tpu.dma_semaphore, #tpu.memory_space<semaphore_mem>>) src(%dma_wait3A_245 : memref<10000x32xf32, #tpu.memory_space<vmem_shared>>) dst(%dma_wait3A_239 : memref<128x32xf32, #tpu.memory_space<vmem>>)
    %rem3A_246 = arith.constant 2 : i32
    %rem3A_247 = arith.constant 16 : i32
    %rem3A_248 = arith.remsi %rem3A_246, %rem3A_247 : i32
    %dma_start3A_249 = arith.constant 2 : i32
    %dma_start3A_250 = arith.constant 0 : i32
    %dma_start3A_251 = arith.constant 0 : i32
    %dma_start3A_252 = tpu.memref_slice %arg8[%rem3A_248, %dma_start3A_250, %dma_start3A_251] : memref<16x128x32xf32, #tpu.memory_space<vmem>> -> memref<1x128x32xf32, #tpu.memory_space<vmem>>
    %dma_start3A_253 = tpu.memref_squeeze %dma_start3A_252 : memref<1x128x32xf32, #tpu.memory_space<vmem>> -> memref<128x32xf32, #tpu.memory_space<vmem>>
    %dma_start3A_254 = arith.constant 0 : i32
    %dma_start3A_255 = tpu.memref_slice %arg7[%dma_start3A_249, %dma_start3A_254] : memref<79x128xi32, #tpu.memory_space<vmem>> -> memref<1x128xi32, #tpu.memory_space<vmem>>
    %dma_start3A_256 = tpu.memref_squeeze %dma_start3A_255 : memref<1x128xi32, #tpu.memory_space<vmem>> -> memref<128xi32, #tpu.memory_space<vmem>>
    %dma_start3A_257 = arith.constant 0 : i32
    %dma_start3A_258 = arith.constant 0 : i32
    %dma_start3A_259 = tpu.memref_slice %arg9[%dma_start3A_257, %dma_start3A_258] : memref<10240x32xf32, #tpu.memory_space<vmem_shared>> -> memref<10240x32xf32, #tpu.memory_space<vmem_shared>>
    tpu.enqueue_indirect_dma source(%dma_start3A_253 : memref<128x32xf32, #tpu.memory_space<vmem>>) target(%dma_start3A_259 : memref<10240x32xf32, #tpu.memory_space<vmem_shared>>) offsets(%dma_start3A_256 : memref<128xi32, #tpu.memory_space<vmem>>) semaphore(%arg12 : memref<!tpu.dma_semaphore, #tpu.memory_space<semaphore_mem>>) {add = true}
    %rem3A_260 = arith.constant 11 : i32
    %rem3A_261 = arith.constant 16 : i32
    %rem3A_262 = arith.remsi %rem3A_260, %rem3A_261 : i32
    %dma_start3A_263 = arith.constant 11 : i32
    %dma_start3A_264 = arith.constant 0 : i32
    %dma_start3A_265 = arith.constant 0 : i32
    %dma_start3A_266 = tpu.memref_slice %arg8[%rem3A_262, %dma_start3A_264, %dma_start3A_265] : memref<16x128x32xf32, #tpu.memory_space<vmem>> -> memref<1x128x32xf32, #tpu.memory_space<vmem>>
    %dma_start3A_267 = tpu.memref_squeeze %dma_start3A_266 : memref<1x128x32xf32, #tpu.memory_space<vmem>> -> memref<128x32xf32, #tpu.memory_space<vmem>>
    %dma_start3A_268 = arith.constant 0 : i32
    %dma_start3A_269 = tpu.memref_slice %arg6[%dma_start3A_263, %dma_start3A_268] : memref<79x128xi32, #tpu.memory_space<vmem>> -> memref<1x128xi32, #tpu.memory_space<vmem>>
    %dma_start3A_270 = tpu.memref_squeeze %dma_start3A_269 : memref<1x128xi32, #tpu.memory_space<vmem>> -> memref<128xi32, #tpu.memory_space<vmem>>
    %dma_start3A_271 = arith.constant 0 : i32
    %dma_start3A_272 = arith.constant 0 : i32
    %dma_start3A_273 = tpu.memref_slice %arg10[%dma_start3A_271, %dma_start3A_272] : memref<10000x32xf32, #tpu.memory_space<vmem_shared>> -> memref<10000x32xf32, #tpu.memory_space<vmem_shared>>
    tpu.enqueue_indirect_dma source(%dma_start3A_273 : memref<10000x32xf32, #tpu.memory_space<vmem_shared>>) target(%dma_start3A_267 : memref<128x32xf32, #tpu.memory_space<vmem>>) offsets(%dma_start3A_270 : memref<128xi32, #tpu.memory_space<vmem>>) semaphore(%arg11 : memref<!tpu.dma_semaphore, #tpu.memory_space<semaphore_mem>>)
    %rem3A_274 = arith.constant 3 : i32
    %rem3A_275 = arith.constant 16 : i32
    %rem3A_276 = arith.remsi %rem3A_274, %rem3A_275 : i32
    %dma_wait3A_277 = arith.constant 3 : i32
    %dma_wait3A_278 = arith.constant 0 : i32
    %dma_wait3A_279 = arith.constant 0 : i32
    %dma_wait3A_280 = tpu.memref_slice %arg8[%rem3A_276, %dma_wait3A_278, %dma_wait3A_279] : memref<16x128x32xf32, #tpu.memory_space<vmem>> -> memref<1x128x32xf32, #tpu.memory_space<vmem>>
    %dma_wait3A_281 = tpu.memref_squeeze %dma_wait3A_280 : memref<1x128x32xf32, #tpu.memory_space<vmem>> -> memref<128x32xf32, #tpu.memory_space<vmem>>
    %dma_wait3A_282 = arith.constant 0 : i32
    %dma_wait3A_283 = tpu.memref_slice %arg6[%dma_wait3A_277, %dma_wait3A_282] : memref<79x128xi32, #tpu.memory_space<vmem>> -> memref<1x128xi32, #tpu.memory_space<vmem>>
    %dma_wait3A_284 = tpu.memref_squeeze %dma_wait3A_283 : memref<1x128xi32, #tpu.memory_space<vmem>> -> memref<128xi32, #tpu.memory_space<vmem>>
    %dma_wait3A_285 = arith.constant 0 : i32
    %dma_wait3A_286 = arith.constant 0 : i32
    %dma_wait3A_287 = tpu.memref_slice %arg10[%dma_wait3A_285, %dma_wait3A_286] : memref<10000x32xf32, #tpu.memory_space<vmem_shared>> -> memref<10000x32xf32, #tpu.memory_space<vmem_shared>>
    tpu.wait_indirect_dma semaphore(%arg11 : memref<!tpu.dma_semaphore, #tpu.memory_space<semaphore_mem>>) src(%dma_wait3A_287 : memref<10000x32xf32, #tpu.memory_space<vmem_shared>>) dst(%dma_wait3A_281 : memref<128x32xf32, #tpu.memory_space<vmem>>)
    %rem3A_288 = arith.constant 3 : i32
    %rem3A_289 = arith.constant 16 : i32
    %rem3A_290 = arith.remsi %rem3A_288, %rem3A_289 : i32
    %dma_start3A_291 = arith.constant 3 : i32
    %dma_start3A_292 = arith.constant 0 : i32
    %dma_start3A_293 = arith.constant 0 : i32
    %dma_start3A_294 = tpu.memref_slice %arg8[%rem3A_290, %dma_start3A_292, %dma_start3A_293] : memref<16x128x32xf32, #tpu.memory_space<vmem>> -> memref<1x128x32xf32, #tpu.memory_space<vmem>>
    %dma_start3A_295 = tpu.memref_squeeze %dma_start3A_294 : memref<1x128x32xf32, #tpu.memory_space<vmem>> -> memref<128x32xf32, #tpu.memory_space<vmem>>
    %dma_start3A_296 = arith.constant 0 : i32
    %dma_start3A_297 = tpu.memref_slice %arg7[%dma_start3A_291, %dma_start3A_296] : memref<79x128xi32, #tpu.memory_space<vmem>> -> memref<1x128xi32, #tpu.memory_space<vmem>>
    %dma_start3A_298 = tpu.memref_squeeze %dma_start3A_297 : memref<1x128xi32, #tpu.memory_space<vmem>> -> memref<128xi32, #tpu.memory_space<vmem>>
    %dma_start3A_299 = arith.constant 0 : i32
    %dma_start3A_300 = arith.constant 0 : i32
    %dma_start3A_301 = tpu.memref_slice %arg9[%dma_start3A_299, %dma_start3A_300] : memref<10240x32xf32, #tpu.memory_space<vmem_shared>> -> memref<10240x32xf32, #tpu.memory_space<vmem_shared>>
    tpu.enqueue_indirect_dma source(%dma_start3A_295 : memref<128x32xf32, #tpu.memory_space<vmem>>) target(%dma_start3A_301 : memref<10240x32xf32, #tpu.memory_space<vmem_shared>>) offsets(%dma_start3A_298 : memref<128xi32, #tpu.memory_space<vmem>>) semaphore(%arg12 : memref<!tpu.dma_semaphore, #tpu.memory_space<semaphore_mem>>) {add = true}
    %rem3A_302 = arith.constant 12 : i32
    %rem3A_303 = arith.constant 16 : i32
    %rem3A_304 = arith.remsi %rem3A_302, %rem3A_303 : i32
    %dma_start3A_305 = arith.constant 12 : i32
    %dma_start3A_306 = arith.constant 0 : i32
    %dma_start3A_307 = arith.constant 0 : i32
    %dma_start3A_308 = tpu.memref_slice %arg8[%rem3A_304, %dma_start3A_306, %dma_start3A_307] : memref<16x128x32xf32, #tpu.memory_space<vmem>> -> memref<1x128x32xf32, #tpu.memory_space<vmem>>
    %dma_start3A_309 = tpu.memref_squeeze %dma_start3A_308 : memref<1x128x32xf32, #tpu.memory_space<vmem>> -> memref<128x32xf32, #tpu.memory_space<vmem>>
    %dma_start3A_310 = arith.constant 0 : i32
    %dma_start3A_311 = tpu.memref_slice %arg6[%dma_start3A_305, %dma_start3A_310] : memref<79x128xi32, #tpu.memory_space<vmem>> -> memref<1x128xi32, #tpu.memory_space<vmem>>
    %dma_start3A_312 = tpu.memref_squeeze %dma_start3A_311 : memref<1x128xi32, #tpu.memory_space<vmem>> -> memref<128xi32, #tpu.memory_space<vmem>>
    %dma_start3A_313 = arith.constant 0 : i32
    %dma_start3A_314 = arith.constant 0 : i32
    %dma_start3A_315 = tpu.memref_slice %arg10[%dma_start3A_313, %dma_start3A_314] : memref<10000x32xf32, #tpu.memory_space<vmem_shared>> -> memref<10000x32xf32, #tpu.memory_space<vmem_shared>>
    tpu.enqueue_indirect_dma source(%dma_start3A_315 : memref<10000x32xf32, #tpu.memory_space<vmem_shared>>) target(%dma_start3A_309 : memref<128x32xf32, #tpu.memory_space<vmem>>) offsets(%dma_start3A_312 : memref<128xi32, #tpu.memory_space<vmem>>) semaphore(%arg11 : memref<!tpu.dma_semaphore, #tpu.memory_space<semaphore_mem>>)
    %rem3A_316 = arith.constant 4 : i32
    %rem3A_317 = arith.constant 16 : i32
    %rem3A_318 = arith.remsi %rem3A_316, %rem3A_317 : i32
    %dma_wait3A_319 = arith.constant 4 : i32
    %dma_wait3A_320 = arith.constant 0 : i32
    %dma_wait3A_321 = arith.constant 0 : i32
    %dma_wait3A_322 = tpu.memref_slice %arg8[%rem3A_318, %dma_wait3A_320, %dma_wait3A_321] : memref<16x128x32xf32, #tpu.memory_space<vmem>> -> memref<1x128x32xf32, #tpu.memory_space<vmem>>
    %dma_wait3A_323 = tpu.memref_squeeze %dma_wait3A_322 : memref<1x128x32xf32, #tpu.memory_space<vmem>> -> memref<128x32xf32, #tpu.memory_space<vmem>>
    %dma_wait3A_324 = arith.constant 0 : i32
    %dma_wait3A_325 = tpu.memref_slice %arg6[%dma_wait3A_319, %dma_wait3A_324] : memref<79x128xi32, #tpu.memory_space<vmem>> -> memref<1x128xi32, #tpu.memory_space<vmem>>
    %dma_wait3A_326 = tpu.memref_squeeze %dma_wait3A_325 : memref<1x128xi32, #tpu.memory_space<vmem>> -> memref<128xi32, #tpu.memory_space<vmem>>
    %dma_wait3A_327 = arith.constant 0 : i32
    %dma_wait3A_328 = arith.constant 0 : i32
    %dma_wait3A_329 = tpu.memref_slice %arg10[%dma_wait3A_327, %dma_wait3A_328] : memref<10000x32xf32, #tpu.memory_space<vmem_shared>> -> memref<10000x32xf32, #tpu.memory_space<vmem_shared>>
    tpu.wait_indirect_dma semaphore(%arg11 : memref<!tpu.dma_semaphore, #tpu.memory_space<semaphore_mem>>) src(%dma_wait3A_329 : memref<10000x32xf32, #tpu.memory_space<vmem_shared>>) dst(%dma_wait3A_323 : memref<128x32xf32, #tpu.memory_space<vmem>>)
    %rem3A_330 = arith.constant 4 : i32
    %rem3A_331 = arith.constant 16 : i32
    %rem3A_332 = arith.remsi %rem3A_330, %rem3A_331 : i32
    %dma_start3A_333 = arith.constant 4 : i32
    %dma_start3A_334 = arith.constant 0 : i32
    %dma_start3A_335 = arith.constant 0 : i32
    %dma_start3A_336 = tpu.memref_slice %arg8[%rem3A_332, %dma_start3A_334, %dma_start3A_335] : memref<16x128x32xf32, #tpu.memory_space<vmem>> -> memref<1x128x32xf32, #tpu.memory_space<vmem>>
    %dma_start3A_337 = tpu.memref_squeeze %dma_start3A_336 : memref<1x128x32xf32, #tpu.memory_space<vmem>> -> memref<128x32xf32, #tpu.memory_space<vmem>>
    %dma_start3A_338 = arith.constant 0 : i32
    %dma_start3A_339 = tpu.memref_slice %arg7[%dma_start3A_333, %dma_start3A_338] : memref<79x128xi32, #tpu.memory_space<vmem>> -> memref<1x128xi32, #tpu.memory_space<vmem>>
    %dma_start3A_340 = tpu.memref_squeeze %dma_start3A_339 : memref<1x128xi32, #tpu.memory_space<vmem>> -> memref<128xi32, #tpu.memory_space<vmem>>
    %dma_start3A_341 = arith.constant 0 : i32
    %dma_start3A_342 = arith.constant 0 : i32
    %dma_start3A_343 = tpu.memref_slice %arg9[%dma_start3A_341, %dma_start3A_342] : memref<10240x32xf32, #tpu.memory_space<vmem_shared>> -> memref<10240x32xf32, #tpu.memory_space<vmem_shared>>
    tpu.enqueue_indirect_dma source(%dma_start3A_337 : memref<128x32xf32, #tpu.memory_space<vmem>>) target(%dma_start3A_343 : memref<10240x32xf32, #tpu.memory_space<vmem_shared>>) offsets(%dma_start3A_340 : memref<128xi32, #tpu.memory_space<vmem>>) semaphore(%arg12 : memref<!tpu.dma_semaphore, #tpu.memory_space<semaphore_mem>>) {add = true}
    %rem3A_344 = arith.constant 13 : i32
    %rem3A_345 = arith.constant 16 : i32
    %rem3A_346 = arith.remsi %rem3A_344, %rem3A_345 : i32
    %dma_start3A_347 = arith.constant 13 : i32
    %dma_start3A_348 = arith.constant 0 : i32
    %dma_start3A_349 = arith.constant 0 : i32
    %dma_start3A_350 = tpu.memref_slice %arg8[%rem3A_346, %dma_start3A_348, %dma_start3A_349] : memref<16x128x32xf32, #tpu.memory_space<vmem>> -> memref<1x128x32xf32, #tpu.memory_space<vmem>>
    %dma_start3A_351 = tpu.memref_squeeze %dma_start3A_350 : memref<1x128x32xf32, #tpu.memory_space<vmem>> -> memref<128x32xf32, #tpu.memory_space<vmem>>
    %dma_start3A_352 = arith.constant 0 : i32
    %dma_start3A_353 = tpu.memref_slice %arg6[%dma_start3A_347, %dma_start3A_352] : memref<79x128xi32, #tpu.memory_space<vmem>> -> memref<1x128xi32, #tpu.memory_space<vmem>>
    %dma_start3A_354 = tpu.memref_squeeze %dma_start3A_353 : memref<1x128xi32, #tpu.memory_space<vmem>> -> memref<128xi32, #tpu.memory_space<vmem>>
    %dma_start3A_355 = arith.constant 0 : i32
    %dma_start3A_356 = arith.constant 0 : i32
    %dma_start3A_357 = tpu.memref_slice %arg10[%dma_start3A_355, %dma_start3A_356] : memref<10000x32xf32, #tpu.memory_space<vmem_shared>> -> memref<10000x32xf32, #tpu.memory_space<vmem_shared>>
    tpu.enqueue_indirect_dma source(%dma_start3A_357 : memref<10000x32xf32, #tpu.memory_space<vmem_shared>>) target(%dma_start3A_351 : memref<128x32xf32, #tpu.memory_space<vmem>>) offsets(%dma_start3A_354 : memref<128xi32, #tpu.memory_space<vmem>>) semaphore(%arg11 : memref<!tpu.dma_semaphore, #tpu.memory_space<semaphore_mem>>)
    %rem3A_358 = arith.constant 5 : i32
    %rem3A_359 = arith.constant 16 : i32
    %rem3A_360 = arith.remsi %rem3A_358, %rem3A_359 : i32
    %dma_wait3A_361 = arith.constant 5 : i32
    %dma_wait3A_362 = arith.constant 0 : i32
    %dma_wait3A_363 = arith.constant 0 : i32
    %dma_wait3A_364 = tpu.memref_slice %arg8[%rem3A_360, %dma_wait3A_362, %dma_wait3A_363] : memref<16x128x32xf32, #tpu.memory_space<vmem>> -> memref<1x128x32xf32, #tpu.memory_space<vmem>>
    %dma_wait3A_365 = tpu.memref_squeeze %dma_wait3A_364 : memref<1x128x32xf32, #tpu.memory_space<vmem>> -> memref<128x32xf32, #tpu.memory_space<vmem>>
    %dma_wait3A_366 = arith.constant 0 : i32
    %dma_wait3A_367 = tpu.memref_slice %arg6[%dma_wait3A_361, %dma_wait3A_366] : memref<79x128xi32, #tpu.memory_space<vmem>> -> memref<1x128xi32, #tpu.memory_space<vmem>>
    %dma_wait3A_368 = tpu.memref_squeeze %dma_wait3A_367 : memref<1x128xi32, #tpu.memory_space<vmem>> -> memref<128xi32, #tpu.memory_space<vmem>>
    %dma_wait3A_369 = arith.constant 0 : i32
    %dma_wait3A_370 = arith.constant 0 : i32
    %dma_wait3A_371 = tpu.memref_slice %arg10[%dma_wait3A_369, %dma_wait3A_370] : memref<10000x32xf32, #tpu.memory_space<vmem_shared>> -> memref<10000x32xf32, #tpu.memory_space<vmem_shared>>
    tpu.wait_indirect_dma semaphore(%arg11 : memref<!tpu.dma_semaphore, #tpu.memory_space<semaphore_mem>>) src(%dma_wait3A_371 : memref<10000x32xf32, #tpu.memory_space<vmem_shared>>) dst(%dma_wait3A_365 : memref<128x32xf32, #tpu.memory_space<vmem>>)
    %rem3A_372 = arith.constant 5 : i32
    %rem3A_373 = arith.constant 16 : i32
    %rem3A_374 = arith.remsi %rem3A_372, %rem3A_373 : i32
    %dma_start3A_375 = arith.constant 5 : i32
    %dma_start3A_376 = arith.constant 0 : i32
    %dma_start3A_377 = arith.constant 0 : i32
    %dma_start3A_378 = tpu.memref_slice %arg8[%rem3A_374, %dma_start3A_376, %dma_start3A_377] : memref<16x128x32xf32, #tpu.memory_space<vmem>> -> memref<1x128x32xf32, #tpu.memory_space<vmem>>
    %dma_start3A_379 = tpu.memref_squeeze %dma_start3A_378 : memref<1x128x32xf32, #tpu.memory_space<vmem>> -> memref<128x32xf32, #tpu.memory_space<vmem>>
    %dma_start3A_380 = arith.constant 0 : i32
    %dma_start3A_381 = tpu.memref_slice %arg7[%dma_start3A_375, %dma_start3A_380] : memref<79x128xi32, #tpu.memory_space<vmem>> -> memref<1x128xi32, #tpu.memory_space<vmem>>
    %dma_start3A_382 = tpu.memref_squeeze %dma_start3A_381 : memref<1x128xi32, #tpu.memory_space<vmem>> -> memref<128xi32, #tpu.memory_space<vmem>>
    %dma_start3A_383 = arith.constant 0 : i32
    %dma_start3A_384 = arith.constant 0 : i32
    %dma_start3A_385 = tpu.memref_slice %arg9[%dma_start3A_383, %dma_start3A_384] : memref<10240x32xf32, #tpu.memory_space<vmem_shared>> -> memref<10240x32xf32, #tpu.memory_space<vmem_shared>>
    tpu.enqueue_indirect_dma source(%dma_start3A_379 : memref<128x32xf32, #tpu.memory_space<vmem>>) target(%dma_start3A_385 : memref<10240x32xf32, #tpu.memory_space<vmem_shared>>) offsets(%dma_start3A_382 : memref<128xi32, #tpu.memory_space<vmem>>) semaphore(%arg12 : memref<!tpu.dma_semaphore, #tpu.memory_space<semaphore_mem>>) {add = true}
    %rem3A_386 = arith.constant 14 : i32
    %rem3A_387 = arith.constant 16 : i32
    %rem3A_388 = arith.remsi %rem3A_386, %rem3A_387 : i32
    %dma_start3A_389 = arith.constant 14 : i32
    %dma_start3A_390 = arith.constant 0 : i32
    %dma_start3A_391 = arith.constant 0 : i32
    %dma_start3A_392 = tpu.memref_slice %arg8[%rem3A_388, %dma_start3A_390, %dma_start3A_391] : memref<16x128x32xf32, #tpu.memory_space<vmem>> -> memref<1x128x32xf32, #tpu.memory_space<vmem>>
    %dma_start3A_393 = tpu.memref_squeeze %dma_start3A_392 : memref<1x128x32xf32, #tpu.memory_space<vmem>> -> memref<128x32xf32, #tpu.memory_space<vmem>>
    %dma_start3A_394 = arith.constant 0 : i32
    %dma_start3A_395 = tpu.memref_slice %arg6[%dma_start3A_389, %dma_start3A_394] : memref<79x128xi32, #tpu.memory_space<vmem>> -> memref<1x128xi32, #tpu.memory_space<vmem>>
    %dma_start3A_396 = tpu.memref_squeeze %dma_start3A_395 : memref<1x128xi32, #tpu.memory_space<vmem>> -> memref<128xi32, #tpu.memory_space<vmem>>
    %dma_start3A_397 = arith.constant 0 : i32
    %dma_start3A_398 = arith.constant 0 : i32
    %dma_start3A_399 = tpu.memref_slice %arg10[%dma_start3A_397, %dma_start3A_398] : memref<10000x32xf32, #tpu.memory_space<vmem_shared>> -> memref<10000x32xf32, #tpu.memory_space<vmem_shared>>
    tpu.enqueue_indirect_dma source(%dma_start3A_399 : memref<10000x32xf32, #tpu.memory_space<vmem_shared>>) target(%dma_start3A_393 : memref<128x32xf32, #tpu.memory_space<vmem>>) offsets(%dma_start3A_396 : memref<128xi32, #tpu.memory_space<vmem>>) semaphore(%arg11 : memref<!tpu.dma_semaphore, #tpu.memory_space<semaphore_mem>>)
    %rem3A_400 = arith.constant 6 : i32
    %rem3A_401 = arith.constant 16 : i32
    %rem3A_402 = arith.remsi %rem3A_400, %rem3A_401 : i32
    %dma_wait3A_403 = arith.constant 6 : i32
    %dma_wait3A_404 = arith.constant 0 : i32
    %dma_wait3A_405 = arith.constant 0 : i32
    %dma_wait3A_406 = tpu.memref_slice %arg8[%rem3A_402, %dma_wait3A_404, %dma_wait3A_405] : memref<16x128x32xf32, #tpu.memory_space<vmem>> -> memref<1x128x32xf32, #tpu.memory_space<vmem>>
    %dma_wait3A_407 = tpu.memref_squeeze %dma_wait3A_406 : memref<1x128x32xf32, #tpu.memory_space<vmem>> -> memref<128x32xf32, #tpu.memory_space<vmem>>
    %dma_wait3A_408 = arith.constant 0 : i32
    %dma_wait3A_409 = tpu.memref_slice %arg6[%dma_wait3A_403, %dma_wait3A_408] : memref<79x128xi32, #tpu.memory_space<vmem>> -> memref<1x128xi32, #tpu.memory_space<vmem>>
    %dma_wait3A_410 = tpu.memref_squeeze %dma_wait3A_409 : memref<1x128xi32, #tpu.memory_space<vmem>> -> memref<128xi32, #tpu.memory_space<vmem>>
    %dma_wait3A_411 = arith.constant 0 : i32
    %dma_wait3A_412 = arith.constant 0 : i32
    %dma_wait3A_413 = tpu.memref_slice %arg10[%dma_wait3A_411, %dma_wait3A_412] : memref<10000x32xf32, #tpu.memory_space<vmem_shared>> -> memref<10000x32xf32, #tpu.memory_space<vmem_shared>>
    tpu.wait_indirect_dma semaphore(%arg11 : memref<!tpu.dma_semaphore, #tpu.memory_space<semaphore_mem>>) src(%dma_wait3A_413 : memref<10000x32xf32, #tpu.memory_space<vmem_shared>>) dst(%dma_wait3A_407 : memref<128x32xf32, #tpu.memory_space<vmem>>)
    %rem3A_414 = arith.constant 6 : i32
    %rem3A_415 = arith.constant 16 : i32
    %rem3A_416 = arith.remsi %rem3A_414, %rem3A_415 : i32
    %dma_start3A_417 = arith.constant 6 : i32
    %dma_start3A_418 = arith.constant 0 : i32
    %dma_start3A_419 = arith.constant 0 : i32
    %dma_start3A_420 = tpu.memref_slice %arg8[%rem3A_416, %dma_start3A_418, %dma_start3A_419] : memref<16x128x32xf32, #tpu.memory_space<vmem>> -> memref<1x128x32xf32, #tpu.memory_space<vmem>>
    %dma_start3A_421 = tpu.memref_squeeze %dma_start3A_420 : memref<1x128x32xf32, #tpu.memory_space<vmem>> -> memref<128x32xf32, #tpu.memory_space<vmem>>
    %dma_start3A_422 = arith.constant 0 : i32
    %dma_start3A_423 = tpu.memref_slice %arg7[%dma_start3A_417, %dma_start3A_422] : memref<79x128xi32, #tpu.memory_space<vmem>> -> memref<1x128xi32, #tpu.memory_space<vmem>>
    %dma_start3A_424 = tpu.memref_squeeze %dma_start3A_423 : memref<1x128xi32, #tpu.memory_space<vmem>> -> memref<128xi32, #tpu.memory_space<vmem>>
    %dma_start3A_425 = arith.constant 0 : i32
    %dma_start3A_426 = arith.constant 0 : i32
    %dma_start3A_427 = tpu.memref_slice %arg9[%dma_start3A_425, %dma_start3A_426] : memref<10240x32xf32, #tpu.memory_space<vmem_shared>> -> memref<10240x32xf32, #tpu.memory_space<vmem_shared>>
    tpu.enqueue_indirect_dma source(%dma_start3A_421 : memref<128x32xf32, #tpu.memory_space<vmem>>) target(%dma_start3A_427 : memref<10240x32xf32, #tpu.memory_space<vmem_shared>>) offsets(%dma_start3A_424 : memref<128xi32, #tpu.memory_space<vmem>>) semaphore(%arg12 : memref<!tpu.dma_semaphore, #tpu.memory_space<semaphore_mem>>) {add = true}
    %rem3A_428 = arith.constant 15 : i32
    %rem3A_429 = arith.constant 16 : i32
    %rem3A_430 = arith.remsi %rem3A_428, %rem3A_429 : i32
    %dma_start3A_431 = arith.constant 15 : i32
    %dma_start3A_432 = arith.constant 0 : i32
    %dma_start3A_433 = arith.constant 0 : i32
    %dma_start3A_434 = tpu.memref_slice %arg8[%rem3A_430, %dma_start3A_432, %dma_start3A_433] : memref<16x128x32xf32, #tpu.memory_space<vmem>> -> memref<1x128x32xf32, #tpu.memory_space<vmem>>
    %dma_start3A_435 = tpu.memref_squeeze %dma_start3A_434 : memref<1x128x32xf32, #tpu.memory_space<vmem>> -> memref<128x32xf32, #tpu.memory_space<vmem>>
    %dma_start3A_436 = arith.constant 0 : i32
    %dma_start3A_437 = tpu.memref_slice %arg6[%dma_start3A_431, %dma_start3A_436] : memref<79x128xi32, #tpu.memory_space<vmem>> -> memref<1x128xi32, #tpu.memory_space<vmem>>
    %dma_start3A_438 = tpu.memref_squeeze %dma_start3A_437 : memref<1x128xi32, #tpu.memory_space<vmem>> -> memref<128xi32, #tpu.memory_space<vmem>>
    %dma_start3A_439 = arith.constant 0 : i32
    %dma_start3A_440 = arith.constant 0 : i32
    %dma_start3A_441 = tpu.memref_slice %arg10[%dma_start3A_439, %dma_start3A_440] : memref<10000x32xf32, #tpu.memory_space<vmem_shared>> -> memref<10000x32xf32, #tpu.memory_space<vmem_shared>>
    tpu.enqueue_indirect_dma source(%dma_start3A_441 : memref<10000x32xf32, #tpu.memory_space<vmem_shared>>) target(%dma_start3A_435 : memref<128x32xf32, #tpu.memory_space<vmem>>) offsets(%dma_start3A_438 : memref<128xi32, #tpu.memory_space<vmem>>) semaphore(%arg11 : memref<!tpu.dma_semaphore, #tpu.memory_space<semaphore_mem>>)
    %rem3A_442 = arith.constant 7 : i32
    %rem3A_443 = arith.constant 16 : i32
    %rem3A_444 = arith.remsi %rem3A_442, %rem3A_443 : i32
    %dma_wait3A_445 = arith.constant 7 : i32
    %dma_wait3A_446 = arith.constant 0 : i32
    %dma_wait3A_447 = arith.constant 0 : i32
    %dma_wait3A_448 = tpu.memref_slice %arg8[%rem3A_444, %dma_wait3A_446, %dma_wait3A_447] : memref<16x128x32xf32, #tpu.memory_space<vmem>> -> memref<1x128x32xf32, #tpu.memory_space<vmem>>
    %dma_wait3A_449 = tpu.memref_squeeze %dma_wait3A_448 : memref<1x128x32xf32, #tpu.memory_space<vmem>> -> memref<128x32xf32, #tpu.memory_space<vmem>>
    %dma_wait3A_450 = arith.constant 0 : i32
    %dma_wait3A_451 = tpu.memref_slice %arg6[%dma_wait3A_445, %dma_wait3A_450] : memref<79x128xi32, #tpu.memory_space<vmem>> -> memref<1x128xi32, #tpu.memory_space<vmem>>
    %dma_wait3A_452 = tpu.memref_squeeze %dma_wait3A_451 : memref<1x128xi32, #tpu.memory_space<vmem>> -> memref<128xi32, #tpu.memory_space<vmem>>
    %dma_wait3A_453 = arith.constant 0 : i32
    %dma_wait3A_454 = arith.constant 0 : i32
    %dma_wait3A_455 = tpu.memref_slice %arg10[%dma_wait3A_453, %dma_wait3A_454] : memref<10000x32xf32, #tpu.memory_space<vmem_shared>> -> memref<10000x32xf32, #tpu.memory_space<vmem_shared>>
    tpu.wait_indirect_dma semaphore(%arg11 : memref<!tpu.dma_semaphore, #tpu.memory_space<semaphore_mem>>) src(%dma_wait3A_455 : memref<10000x32xf32, #tpu.memory_space<vmem_shared>>) dst(%dma_wait3A_449 : memref<128x32xf32, #tpu.memory_space<vmem>>)
    %rem3A_456 = arith.constant 7 : i32
    %rem3A_457 = arith.constant 16 : i32
    %rem3A_458 = arith.remsi %rem3A_456, %rem3A_457 : i32
    %dma_start3A_459 = arith.constant 7 : i32
    %dma_start3A_460 = arith.constant 0 : i32
    %dma_start3A_461 = arith.constant 0 : i32
    %dma_start3A_462 = tpu.memref_slice %arg8[%rem3A_458, %dma_start3A_460, %dma_start3A_461] : memref<16x128x32xf32, #tpu.memory_space<vmem>> -> memref<1x128x32xf32, #tpu.memory_space<vmem>>
    %dma_start3A_463 = tpu.memref_squeeze %dma_start3A_462 : memref<1x128x32xf32, #tpu.memory_space<vmem>> -> memref<128x32xf32, #tpu.memory_space<vmem>>
    %dma_start3A_464 = arith.constant 0 : i32
    %dma_start3A_465 = tpu.memref_slice %arg7[%dma_start3A_459, %dma_start3A_464] : memref<79x128xi32, #tpu.memory_space<vmem>> -> memref<1x128xi32, #tpu.memory_space<vmem>>
    %dma_start3A_466 = tpu.memref_squeeze %dma_start3A_465 : memref<1x128xi32, #tpu.memory_space<vmem>> -> memref<128xi32, #tpu.memory_space<vmem>>
    %dma_start3A_467 = arith.constant 0 : i32
    %dma_start3A_468 = arith.constant 0 : i32
    %dma_start3A_469 = tpu.memref_slice %arg9[%dma_start3A_467, %dma_start3A_468] : memref<10240x32xf32, #tpu.memory_space<vmem_shared>> -> memref<10240x32xf32, #tpu.memory_space<vmem_shared>>
    tpu.enqueue_indirect_dma source(%dma_start3A_463 : memref<128x32xf32, #tpu.memory_space<vmem>>) target(%dma_start3A_469 : memref<10240x32xf32, #tpu.memory_space<vmem_shared>>) offsets(%dma_start3A_466 : memref<128xi32, #tpu.memory_space<vmem>>) semaphore(%arg12 : memref<!tpu.dma_semaphore, #tpu.memory_space<semaphore_mem>>) {add = true}
    %sub3A = arith.constant 8 : i32
    %sub3A_470 = arith.subi %add3A_8, %sub3A : i32
    %while3A = arith.constant 0 : i32
    %while3A_471 = arith.constant 8 : i32
    %while3A_472 = arith.subi %sub3A_470, %while3A_471 : i32
    %while3A_473 = arith.addi %while3A_471, %while3A_472 : i32
    %while3A_474 = arith.constant 1 : i32
    %while3A_475 = arith.divsi %while3A_472, %while3A_474 : i32
    %while3A_476 = arith.muli %while3A_475, %while3A_474 : i32
    %while3A_477 = arith.addi %while3A_471, %while3A_476 : i32
    %while3A_478 = arith.constant 1 : i32
    scf.for %while3A_511 = %while3A_471 to %while3A_477 step %while3A_478  : i32 {
      %sub3A_512 = arith.constant 8 : i32
      %sub3A_513 = arith.subi %while3A_511, %sub3A_512 : i32
      %rem3A_514 = arith.constant 16 : i32
      %rem3A_515 = arith.remsi %sub3A_513, %rem3A_514 : i32
      %dma_wait3A_516 = arith.constant 0 : i32
      %dma_wait3A_517 = arith.constant 0 : i32
      %dma_wait3A_518 = tpu.memref_slice %arg8[%rem3A_515, %dma_wait3A_516, %dma_wait3A_517] : memref<16x128x32xf32, #tpu.memory_space<vmem>> -> memref<1x128x32xf32, #tpu.memory_space<vmem>>
      %dma_wait3A_519 = tpu.memref_squeeze %dma_wait3A_518 : memref<1x128x32xf32, #tpu.memory_space<vmem>> -> memref<128x32xf32, #tpu.memory_space<vmem>>
      %dma_wait3A_520 = arith.constant 0 : i32
      %dma_wait3A_521 = tpu.memref_slice %arg7[%sub3A_513, %dma_wait3A_520] : memref<79x128xi32, #tpu.memory_space<vmem>> -> memref<1x128xi32, #tpu.memory_space<vmem>>
      %dma_wait3A_522 = tpu.memref_squeeze %dma_wait3A_521 : memref<1x128xi32, #tpu.memory_space<vmem>> -> memref<128xi32, #tpu.memory_space<vmem>>
      %dma_wait3A_523 = arith.constant 0 : i32
      %dma_wait3A_524 = arith.constant 0 : i32
      %dma_wait3A_525 = tpu.memref_slice %arg9[%dma_wait3A_523, %dma_wait3A_524] : memref<10240x32xf32, #tpu.memory_space<vmem_shared>> -> memref<10240x32xf32, #tpu.memory_space<vmem_shared>>
      tpu.wait_indirect_dma semaphore(%arg12 : memref<!tpu.dma_semaphore, #tpu.memory_space<semaphore_mem>>) src(%dma_wait3A_519 : memref<128x32xf32, #tpu.memory_space<vmem>>) dst(%dma_wait3A_525 : memref<10240x32xf32, #tpu.memory_space<vmem_shared>>)
      %add3A_526 = arith.constant 8 : i32
      %add3A_527 = arith.addi %while3A_511, %add3A_526 : i32
      %rem3A_528 = arith.constant 16 : i32
      %rem3A_529 = arith.remsi %add3A_527, %rem3A_528 : i32
      %dma_start3A_530 = arith.constant 0 : i32
      %dma_start3A_531 = arith.constant 0 : i32
      %dma_start3A_532 = tpu.memref_slice %arg8[%rem3A_529, %dma_start3A_530, %dma_start3A_531] : memref<16x128x32xf32, #tpu.memory_space<vmem>> -> memref<1x128x32xf32, #tpu.memory_space<vmem>>
      %dma_start3A_533 = tpu.memref_squeeze %dma_start3A_532 : memref<1x128x32xf32, #tpu.memory_space<vmem>> -> memref<128x32xf32, #tpu.memory_space<vmem>>
      %dma_start3A_534 = arith.constant 0 : i32
      %dma_start3A_535 = tpu.memref_slice %arg6[%add3A_527, %dma_start3A_534] : memref<79x128xi32, #tpu.memory_space<vmem>> -> memref<1x128xi32, #tpu.memory_space<vmem>>
      %dma_start3A_536 = tpu.memref_squeeze %dma_start3A_535 : memref<1x128xi32, #tpu.memory_space<vmem>> -> memref<128xi32, #tpu.memory_space<vmem>>
      %dma_start3A_537 = arith.constant 0 : i32
      %dma_start3A_538 = arith.constant 0 : i32
      %dma_start3A_539 = tpu.memref_slice %arg10[%dma_start3A_537, %dma_start3A_538] : memref<10000x32xf32, #tpu.memory_space<vmem_shared>> -> memref<10000x32xf32, #tpu.memory_space<vmem_shared>>
      tpu.enqueue_indirect_dma source(%dma_start3A_539 : memref<10000x32xf32, #tpu.memory_space<vmem_shared>>) target(%dma_start3A_533 : memref<128x32xf32, #tpu.memory_space<vmem>>) offsets(%dma_start3A_536 : memref<128xi32, #tpu.memory_space<vmem>>) semaphore(%arg11 : memref<!tpu.dma_semaphore, #tpu.memory_space<semaphore_mem>>)
      %rem3A_540 = arith.constant 16 : i32
      %rem3A_541 = arith.remsi %while3A_511, %rem3A_540 : i32
      %dma_wait3A_542 = arith.constant 0 : i32
      %dma_wait3A_543 = arith.constant 0 : i32
      %dma_wait3A_544 = tpu.memref_slice %arg8[%rem3A_541, %dma_wait3A_542, %dma_wait3A_543] : memref<16x128x32xf32, #tpu.memory_space<vmem>> -> memref<1x128x32xf32, #tpu.memory_space<vmem>>
      %dma_wait3A_545 = tpu.memref_squeeze %dma_wait3A_544 : memref<1x128x32xf32, #tpu.memory_space<vmem>> -> memref<128x32xf32, #tpu.memory_space<vmem>>
      %dma_wait3A_546 = arith.constant 0 : i32
      %dma_wait3A_547 = tpu.memref_slice %arg6[%while3A_511, %dma_wait3A_546] : memref<79x128xi32, #tpu.memory_space<vmem>> -> memref<1x128xi32, #tpu.memory_space<vmem>>
      %dma_wait3A_548 = tpu.memref_squeeze %dma_wait3A_547 : memref<1x128xi32, #tpu.memory_space<vmem>> -> memref<128xi32, #tpu.memory_space<vmem>>
      %dma_wait3A_549 = arith.constant 0 : i32
      %dma_wait3A_550 = arith.constant 0 : i32
      %dma_wait3A_551 = tpu.memref_slice %arg10[%dma_wait3A_549, %dma_wait3A_550] : memref<10000x32xf32, #tpu.memory_space<vmem_shared>> -> memref<10000x32xf32, #tpu.memory_space<vmem_shared>>
      tpu.wait_indirect_dma semaphore(%arg11 : memref<!tpu.dma_semaphore, #tpu.memory_space<semaphore_mem>>) src(%dma_wait3A_551 : memref<10000x32xf32, #tpu.memory_space<vmem_shared>>) dst(%dma_wait3A_545 : memref<128x32xf32, #tpu.memory_space<vmem>>)
      %rem3A_552 = arith.constant 16 : i32
      %rem3A_553 = arith.remsi %while3A_511, %rem3A_552 : i32
      %dma_start3A_554 = arith.constant 0 : i32
      %dma_start3A_555 = arith.constant 0 : i32
      %dma_start3A_556 = tpu.memref_slice %arg8[%rem3A_553, %dma_start3A_554, %dma_start3A_555] : memref<16x128x32xf32, #tpu.memory_space<vmem>> -> memref<1x128x32xf32, #tpu.memory_space<vmem>>
      %dma_start3A_557 = tpu.memref_squeeze %dma_start3A_556 : memref<1x128x32xf32, #tpu.memory_space<vmem>> -> memref<128x32xf32, #tpu.memory_space<vmem>>
      %dma_start3A_558 = arith.constant 0 : i32
      %dma_start3A_559 = tpu.memref_slice %arg7[%while3A_511, %dma_start3A_558] : memref<79x128xi32, #tpu.memory_space<vmem>> -> memref<1x128xi32, #tpu.memory_space<vmem>>
      %dma_start3A_560 = tpu.memref_squeeze %dma_start3A_559 : memref<1x128xi32, #tpu.memory_space<vmem>> -> memref<128xi32, #tpu.memory_space<vmem>>
      %dma_start3A_561 = arith.constant 0 : i32
      %dma_start3A_562 = arith.constant 0 : i32
      %dma_start3A_563 = tpu.memref_slice %arg9[%dma_start3A_561, %dma_start3A_562] : memref<10240x32xf32, #tpu.memory_space<vmem_shared>> -> memref<10240x32xf32, #tpu.memory_space<vmem_shared>>
      tpu.enqueue_indirect_dma source(%dma_start3A_557 : memref<128x32xf32, #tpu.memory_space<vmem>>) target(%dma_start3A_563 : memref<10240x32xf32, #tpu.memory_space<vmem_shared>>) offsets(%dma_start3A_560 : memref<128xi32, #tpu.memory_space<vmem>>) semaphore(%arg12 : memref<!tpu.dma_semaphore, #tpu.memory_space<semaphore_mem>>) {add = true}
    }
    %while3A_479 = arith.constant 1 : i32
    scf.for %while3A_511 = %while3A_477 to %while3A_473 step %while3A_479  : i32 {
      %sub3A_512 = arith.constant 8 : i32
      %sub3A_513 = arith.subi %while3A_511, %sub3A_512 : i32
      %rem3A_514 = arith.constant 16 : i32
      %rem3A_515 = arith.remsi %sub3A_513, %rem3A_514 : i32
      %dma_wait3A_516 = arith.constant 0 : i32
      %dma_wait3A_517 = arith.constant 0 : i32
      %dma_wait3A_518 = tpu.memref_slice %arg8[%rem3A_515, %dma_wait3A_516, %dma_wait3A_517] : memref<16x128x32xf32, #tpu.memory_space<vmem>> -> memref<1x128x32xf32, #tpu.memory_space<vmem>>
      %dma_wait3A_519 = tpu.memref_squeeze %dma_wait3A_518 : memref<1x128x32xf32, #tpu.memory_space<vmem>> -> memref<128x32xf32, #tpu.memory_space<vmem>>
      %dma_wait3A_520 = arith.constant 0 : i32
      %dma_wait3A_521 = tpu.memref_slice %arg7[%sub3A_513, %dma_wait3A_520] : memref<79x128xi32, #tpu.memory_space<vmem>> -> memref<1x128xi32, #tpu.memory_space<vmem>>
      %dma_wait3A_522 = tpu.memref_squeeze %dma_wait3A_521 : memref<1x128xi32, #tpu.memory_space<vmem>> -> memref<128xi32, #tpu.memory_space<vmem>>
      %dma_wait3A_523 = arith.constant 0 : i32
      %dma_wait3A_524 = arith.constant 0 : i32
      %dma_wait3A_525 = tpu.memref_slice %arg9[%dma_wait3A_523, %dma_wait3A_524] : memref<10240x32xf32, #tpu.memory_space<vmem_shared>> -> memref<10240x32xf32, #tpu.memory_space<vmem_shared>>
      tpu.wait_indirect_dma semaphore(%arg12 : memref<!tpu.dma_semaphore, #tpu.memory_space<semaphore_mem>>) src(%dma_wait3A_519 : memref<128x32xf32, #tpu.memory_space<vmem>>) dst(%dma_wait3A_525 : memref<10240x32xf32, #tpu.memory_space<vmem_shared>>)
      %add3A_526 = arith.constant 8 : i32
      %add3A_527 = arith.addi %while3A_511, %add3A_526 : i32
      %rem3A_528 = arith.constant 16 : i32
      %rem3A_529 = arith.remsi %add3A_527, %rem3A_528 : i32
      %dma_start3A_530 = arith.constant 0 : i32
      %dma_start3A_531 = arith.constant 0 : i32
      %dma_start3A_532 = tpu.memref_slice %arg8[%rem3A_529, %dma_start3A_530, %dma_start3A_531] : memref<16x128x32xf32, #tpu.memory_space<vmem>> -> memref<1x128x32xf32, #tpu.memory_space<vmem>>
      %dma_start3A_533 = tpu.memref_squeeze %dma_start3A_532 : memref<1x128x32xf32, #tpu.memory_space<vmem>> -> memref<128x32xf32, #tpu.memory_space<vmem>>
      %dma_start3A_534 = arith.constant 0 : i32
      %dma_start3A_535 = tpu.memref_slice %arg6[%add3A_527, %dma_start3A_534] : memref<79x128xi32, #tpu.memory_space<vmem>> -> memref<1x128xi32, #tpu.memory_space<vmem>>
      %dma_start3A_536 = tpu.memref_squeeze %dma_start3A_535 : memref<1x128xi32, #tpu.memory_space<vmem>> -> memref<128xi32, #tpu.memory_space<vmem>>
      %dma_start3A_537 = arith.constant 0 : i32
      %dma_start3A_538 = arith.constant 0 : i32
      %dma_start3A_539 = tpu.memref_slice %arg10[%dma_start3A_537, %dma_start3A_538] : memref<10000x32xf32, #tpu.memory_space<vmem_shared>> -> memref<10000x32xf32, #tpu.memory_space<vmem_shared>>
      tpu.enqueue_indirect_dma source(%dma_start3A_539 : memref<10000x32xf32, #tpu.memory_space<vmem_shared>>) target(%dma_start3A_533 : memref<128x32xf32, #tpu.memory_space<vmem>>) offsets(%dma_start3A_536 : memref<128xi32, #tpu.memory_space<vmem>>) semaphore(%arg11 : memref<!tpu.dma_semaphore, #tpu.memory_space<semaphore_mem>>)
      %rem3A_540 = arith.constant 16 : i32
      %rem3A_541 = arith.remsi %while3A_511, %rem3A_540 : i32
      %dma_wait3A_542 = arith.constant 0 : i32
      %dma_wait3A_543 = arith.constant 0 : i32
      %dma_wait3A_544 = tpu.memref_slice %arg8[%rem3A_541, %dma_wait3A_542, %dma_wait3A_543] : memref<16x128x32xf32, #tpu.memory_space<vmem>> -> memref<1x128x32xf32, #tpu.memory_space<vmem>>
      %dma_wait3A_545 = tpu.memref_squeeze %dma_wait3A_544 : memref<1x128x32xf32, #tpu.memory_space<vmem>> -> memref<128x32xf32, #tpu.memory_space<vmem>>
      %dma_wait3A_546 = arith.constant 0 : i32
      %dma_wait3A_547 = tpu.memref_slice %arg6[%while3A_511, %dma_wait3A_546] : memref<79x128xi32, #tpu.memory_space<vmem>> -> memref<1x128xi32, #tpu.memory_space<vmem>>
      %dma_wait3A_548 = tpu.memref_squeeze %dma_wait3A_547 : memref<1x128xi32, #tpu.memory_space<vmem>> -> memref<128xi32, #tpu.memory_space<vmem>>
      %dma_wait3A_549 = arith.constant 0 : i32
      %dma_wait3A_550 = arith.constant 0 : i32
      %dma_wait3A_551 = tpu.memref_slice %arg10[%dma_wait3A_549, %dma_wait3A_550] : memref<10000x32xf32, #tpu.memory_space<vmem_shared>> -> memref<10000x32xf32, #tpu.memory_space<vmem_shared>>
      tpu.wait_indirect_dma semaphore(%arg11 : memref<!tpu.dma_semaphore, #tpu.memory_space<semaphore_mem>>) src(%dma_wait3A_551 : memref<10000x32xf32, #tpu.memory_space<vmem_shared>>) dst(%dma_wait3A_545 : memref<128x32xf32, #tpu.memory_space<vmem>>)
      %rem3A_552 = arith.constant 16 : i32
      %rem3A_553 = arith.remsi %while3A_511, %rem3A_552 : i32
      %dma_start3A_554 = arith.constant 0 : i32
      %dma_start3A_555 = arith.constant 0 : i32
      %dma_start3A_556 = tpu.memref_slice %arg8[%rem3A_553, %dma_start3A_554, %dma_start3A_555] : memref<16x128x32xf32, #tpu.memory_space<vmem>> -> memref<1x128x32xf32, #tpu.memory_space<vmem>>
      %dma_start3A_557 = tpu.memref_squeeze %dma_start3A_556 : memref<1x128x32xf32, #tpu.memory_space<vmem>> -> memref<128x32xf32, #tpu.memory_space<vmem>>
      %dma_start3A_558 = arith.constant 0 : i32
      %dma_start3A_559 = tpu.memref_slice %arg7[%while3A_511, %dma_start3A_558] : memref<79x128xi32, #tpu.memory_space<vmem>> -> memref<1x128xi32, #tpu.memory_space<vmem>>
      %dma_start3A_560 = tpu.memref_squeeze %dma_start3A_559 : memref<1x128xi32, #tpu.memory_space<vmem>> -> memref<128xi32, #tpu.memory_space<vmem>>
      %dma_start3A_561 = arith.constant 0 : i32
      %dma_start3A_562 = arith.constant 0 : i32
      %dma_start3A_563 = tpu.memref_slice %arg9[%dma_start3A_561, %dma_start3A_562] : memref<10240x32xf32, #tpu.memory_space<vmem_shared>> -> memref<10240x32xf32, #tpu.memory_space<vmem_shared>>
      tpu.enqueue_indirect_dma source(%dma_start3A_557 : memref<128x32xf32, #tpu.memory_space<vmem>>) target(%dma_start3A_563 : memref<10240x32xf32, #tpu.memory_space<vmem_shared>>) offsets(%dma_start3A_560 : memref<128xi32, #tpu.memory_space<vmem>>) semaphore(%arg12 : memref<!tpu.dma_semaphore, #tpu.memory_space<semaphore_mem>>) {add = true}
    }
    %sub3A_480 = arith.constant 8 : i32
    %sub3A_481 = arith.subi %add3A_8, %sub3A_480 : i32
    %while3A_482 = arith.constant 0 : i32
    %while3A_483 = arith.subi %add3A_8, %sub3A_481 : i32
    %while3A_484 = arith.addi %sub3A_481, %while3A_483 : i32
    %while3A_485 = arith.constant 1 : i32
    %while3A_486 = arith.divsi %while3A_483, %while3A_485 : i32
    %while3A_487 = arith.muli %while3A_486, %while3A_485 : i32
    %while3A_488 = arith.addi %sub3A_481, %while3A_487 : i32
    %while3A_489 = arith.constant 1 : i32
    scf.for %while3A_511 = %sub3A_481 to %while3A_488 step %while3A_489  : i32 {
      %sub3A_512 = arith.constant 8 : i32
      %sub3A_513 = arith.subi %while3A_511, %sub3A_512 : i32
      %rem3A_514 = arith.constant 16 : i32
      %rem3A_515 = arith.remsi %sub3A_513, %rem3A_514 : i32
      %dma_wait3A_516 = arith.constant 0 : i32
      %dma_wait3A_517 = arith.constant 0 : i32
      %dma_wait3A_518 = tpu.memref_slice %arg8[%rem3A_515, %dma_wait3A_516, %dma_wait3A_517] : memref<16x128x32xf32, #tpu.memory_space<vmem>> -> memref<1x128x32xf32, #tpu.memory_space<vmem>>
      %dma_wait3A_519 = tpu.memref_squeeze %dma_wait3A_518 : memref<1x128x32xf32, #tpu.memory_space<vmem>> -> memref<128x32xf32, #tpu.memory_space<vmem>>
      %dma_wait3A_520 = arith.constant 0 : i32
      %dma_wait3A_521 = tpu.memref_slice %arg7[%sub3A_513, %dma_wait3A_520] : memref<79x128xi32, #tpu.memory_space<vmem>> -> memref<1x128xi32, #tpu.memory_space<vmem>>
      %dma_wait3A_522 = tpu.memref_squeeze %dma_wait3A_521 : memref<1x128xi32, #tpu.memory_space<vmem>> -> memref<128xi32, #tpu.memory_space<vmem>>
      %dma_wait3A_523 = arith.constant 0 : i32
      %dma_wait3A_524 = arith.constant 0 : i32
      %dma_wait3A_525 = tpu.memref_slice %arg9[%dma_wait3A_523, %dma_wait3A_524] : memref<10240x32xf32, #tpu.memory_space<vmem_shared>> -> memref<10240x32xf32, #tpu.memory_space<vmem_shared>>
      tpu.wait_indirect_dma semaphore(%arg12 : memref<!tpu.dma_semaphore, #tpu.memory_space<semaphore_mem>>) src(%dma_wait3A_519 : memref<128x32xf32, #tpu.memory_space<vmem>>) dst(%dma_wait3A_525 : memref<10240x32xf32, #tpu.memory_space<vmem_shared>>)
      %rem3A_526 = arith.constant 16 : i32
      %rem3A_527 = arith.remsi %while3A_511, %rem3A_526 : i32
      %dma_wait3A_528 = arith.constant 0 : i32
      %dma_wait3A_529 = arith.constant 0 : i32
      %dma_wait3A_530 = tpu.memref_slice %arg8[%rem3A_527, %dma_wait3A_528, %dma_wait3A_529] : memref<16x128x32xf32, #tpu.memory_space<vmem>> -> memref<1x128x32xf32, #tpu.memory_space<vmem>>
      %dma_wait3A_531 = tpu.memref_squeeze %dma_wait3A_530 : memref<1x128x32xf32, #tpu.memory_space<vmem>> -> memref<128x32xf32, #tpu.memory_space<vmem>>
      %dma_wait3A_532 = arith.constant 0 : i32
      %dma_wait3A_533 = tpu.memref_slice %arg6[%while3A_511, %dma_wait3A_532] : memref<79x128xi32, #tpu.memory_space<vmem>> -> memref<1x128xi32, #tpu.memory_space<vmem>>
      %dma_wait3A_534 = tpu.memref_squeeze %dma_wait3A_533 : memref<1x128xi32, #tpu.memory_space<vmem>> -> memref<128xi32, #tpu.memory_space<vmem>>
      %dma_wait3A_535 = arith.constant 0 : i32
      %dma_wait3A_536 = arith.constant 0 : i32
      %dma_wait3A_537 = tpu.memref_slice %arg10[%dma_wait3A_535, %dma_wait3A_536] : memref<10000x32xf32, #tpu.memory_space<vmem_shared>> -> memref<10000x32xf32, #tpu.memory_space<vmem_shared>>
      tpu.wait_indirect_dma semaphore(%arg11 : memref<!tpu.dma_semaphore, #tpu.memory_space<semaphore_mem>>) src(%dma_wait3A_537 : memref<10000x32xf32, #tpu.memory_space<vmem_shared>>) dst(%dma_wait3A_531 : memref<128x32xf32, #tpu.memory_space<vmem>>)
      %rem3A_538 = arith.constant 16 : i32
      %rem3A_539 = arith.remsi %while3A_511, %rem3A_538 : i32
      %dma_start3A_540 = arith.constant 0 : i32
      %dma_start3A_541 = arith.constant 0 : i32
      %dma_start3A_542 = tpu.memref_slice %arg8[%rem3A_539, %dma_start3A_540, %dma_start3A_541] : memref<16x128x32xf32, #tpu.memory_space<vmem>> -> memref<1x128x32xf32, #tpu.memory_space<vmem>>
      %dma_start3A_543 = tpu.memref_squeeze %dma_start3A_542 : memref<1x128x32xf32, #tpu.memory_space<vmem>> -> memref<128x32xf32, #tpu.memory_space<vmem>>
      %dma_start3A_544 = arith.constant 0 : i32
      %dma_start3A_545 = tpu.memref_slice %arg7[%while3A_511, %dma_start3A_544] : memref<79x128xi32, #tpu.memory_space<vmem>> -> memref<1x128xi32, #tpu.memory_space<vmem>>
      %dma_start3A_546 = tpu.memref_squeeze %dma_start3A_545 : memref<1x128xi32, #tpu.memory_space<vmem>> -> memref<128xi32, #tpu.memory_space<vmem>>
      %dma_start3A_547 = arith.constant 0 : i32
      %dma_start3A_548 = arith.constant 0 : i32
      %dma_start3A_549 = tpu.memref_slice %arg9[%dma_start3A_547, %dma_start3A_548] : memref<10240x32xf32, #tpu.memory_space<vmem_shared>> -> memref<10240x32xf32, #tpu.memory_space<vmem_shared>>
      tpu.enqueue_indirect_dma source(%dma_start3A_543 : memref<128x32xf32, #tpu.memory_space<vmem>>) target(%dma_start3A_549 : memref<10240x32xf32, #tpu.memory_space<vmem_shared>>) offsets(%dma_start3A_546 : memref<128xi32, #tpu.memory_space<vmem>>) semaphore(%arg12 : memref<!tpu.dma_semaphore, #tpu.memory_space<semaphore_mem>>) {add = true}
    }
    %while3A_490 = arith.constant 1 : i32
    scf.for %while3A_511 = %while3A_488 to %while3A_484 step %while3A_490  : i32 {
      %sub3A_512 = arith.constant 8 : i32
      %sub3A_513 = arith.subi %while3A_511, %sub3A_512 : i32
      %rem3A_514 = arith.constant 16 : i32
      %rem3A_515 = arith.remsi %sub3A_513, %rem3A_514 : i32
      %dma_wait3A_516 = arith.constant 0 : i32
      %dma_wait3A_517 = arith.constant 0 : i32
      %dma_wait3A_518 = tpu.memref_slice %arg8[%rem3A_515, %dma_wait3A_516, %dma_wait3A_517] : memref<16x128x32xf32, #tpu.memory_space<vmem>> -> memref<1x128x32xf32, #tpu.memory_space<vmem>>
      %dma_wait3A_519 = tpu.memref_squeeze %dma_wait3A_518 : memref<1x128x32xf32, #tpu.memory_space<vmem>> -> memref<128x32xf32, #tpu.memory_space<vmem>>
      %dma_wait3A_520 = arith.constant 0 : i32
      %dma_wait3A_521 = tpu.memref_slice %arg7[%sub3A_513, %dma_wait3A_520] : memref<79x128xi32, #tpu.memory_space<vmem>> -> memref<1x128xi32, #tpu.memory_space<vmem>>
      %dma_wait3A_522 = tpu.memref_squeeze %dma_wait3A_521 : memref<1x128xi32, #tpu.memory_space<vmem>> -> memref<128xi32, #tpu.memory_space<vmem>>
      %dma_wait3A_523 = arith.constant 0 : i32
      %dma_wait3A_524 = arith.constant 0 : i32
      %dma_wait3A_525 = tpu.memref_slice %arg9[%dma_wait3A_523, %dma_wait3A_524] : memref<10240x32xf32, #tpu.memory_space<vmem_shared>> -> memref<10240x32xf32, #tpu.memory_space<vmem_shared>>
      tpu.wait_indirect_dma semaphore(%arg12 : memref<!tpu.dma_semaphore, #tpu.memory_space<semaphore_mem>>) src(%dma_wait3A_519 : memref<128x32xf32, #tpu.memory_space<vmem>>) dst(%dma_wait3A_525 : memref<10240x32xf32, #tpu.memory_space<vmem_shared>>)
      %rem3A_526 = arith.constant 16 : i32
      %rem3A_527 = arith.remsi %while3A_511, %rem3A_526 : i32
      %dma_wait3A_528 = arith.constant 0 : i32
      %dma_wait3A_529 = arith.constant 0 : i32
      %dma_wait3A_530 = tpu.memref_slice %arg8[%rem3A_527, %dma_wait3A_528, %dma_wait3A_529] : memref<16x128x32xf32, #tpu.memory_space<vmem>> -> memref<1x128x32xf32, #tpu.memory_space<vmem>>
      %dma_wait3A_531 = tpu.memref_squeeze %dma_wait3A_530 : memref<1x128x32xf32, #tpu.memory_space<vmem>> -> memref<128x32xf32, #tpu.memory_space<vmem>>
      %dma_wait3A_532 = arith.constant 0 : i32
      %dma_wait3A_533 = tpu.memref_slice %arg6[%while3A_511, %dma_wait3A_532] : memref<79x128xi32, #tpu.memory_space<vmem>> -> memref<1x128xi32, #tpu.memory_space<vmem>>
      %dma_wait3A_534 = tpu.memref_squeeze %dma_wait3A_533 : memref<1x128xi32, #tpu.memory_space<vmem>> -> memref<128xi32, #tpu.memory_space<vmem>>
      %dma_wait3A_535 = arith.constant 0 : i32
      %dma_wait3A_536 = arith.constant 0 : i32
      %dma_wait3A_537 = tpu.memref_slice %arg10[%dma_wait3A_535, %dma_wait3A_536] : memref<10000x32xf32, #tpu.memory_space<vmem_shared>> -> memref<10000x32xf32, #tpu.memory_space<vmem_shared>>
      tpu.wait_indirect_dma semaphore(%arg11 : memref<!tpu.dma_semaphore, #tpu.memory_space<semaphore_mem>>) src(%dma_wait3A_537 : memref<10000x32xf32, #tpu.memory_space<vmem_shared>>) dst(%dma_wait3A_531 : memref<128x32xf32, #tpu.memory_space<vmem>>)
      %rem3A_538 = arith.constant 16 : i32
      %rem3A_539 = arith.remsi %while3A_511, %rem3A_538 : i32
      %dma_start3A_540 = arith.constant 0 : i32
      %dma_start3A_541 = arith.constant 0 : i32
      %dma_start3A_542 = tpu.memref_slice %arg8[%rem3A_539, %dma_start3A_540, %dma_start3A_541] : memref<16x128x32xf32, #tpu.memory_space<vmem>> -> memref<1x128x32xf32, #tpu.memory_space<vmem>>
      %dma_start3A_543 = tpu.memref_squeeze %dma_start3A_542 : memref<1x128x32xf32, #tpu.memory_space<vmem>> -> memref<128x32xf32, #tpu.memory_space<vmem>>
      %dma_start3A_544 = arith.constant 0 : i32
      %dma_start3A_545 = tpu.memref_slice %arg7[%while3A_511, %dma_start3A_544] : memref<79x128xi32, #tpu.memory_space<vmem>> -> memref<1x128xi32, #tpu.memory_space<vmem>>
      %dma_start3A_546 = tpu.memref_squeeze %dma_start3A_545 : memref<1x128xi32, #tpu.memory_space<vmem>> -> memref<128xi32, #tpu.memory_space<vmem>>
      %dma_start3A_547 = arith.constant 0 : i32
      %dma_start3A_548 = arith.constant 0 : i32
      %dma_start3A_549 = tpu.memref_slice %arg9[%dma_start3A_547, %dma_start3A_548] : memref<10240x32xf32, #tpu.memory_space<vmem_shared>> -> memref<10240x32xf32, #tpu.memory_space<vmem_shared>>
      tpu.enqueue_indirect_dma source(%dma_start3A_543 : memref<128x32xf32, #tpu.memory_space<vmem>>) target(%dma_start3A_549 : memref<10240x32xf32, #tpu.memory_space<vmem_shared>>) offsets(%dma_start3A_546 : memref<128xi32, #tpu.memory_space<vmem>>) semaphore(%arg12 : memref<!tpu.dma_semaphore, #tpu.memory_space<semaphore_mem>>) {add = true}
    }
    %sub3A_491 = arith.constant 8 : i32
    %sub3A_492 = arith.subi %add3A_8, %sub3A_491 : i32
    %while3A_493 = arith.constant 0 : i32
    %while3A_494 = arith.subi %add3A_8, %sub3A_492 : i32
    %while3A_495 = arith.addi %sub3A_492, %while3A_494 : i32
    %while3A_496 = arith.constant 1 : i32
    %while3A_497 = arith.divsi %while3A_494, %while3A_496 : i32
    %while3A_498 = arith.muli %while3A_497, %while3A_496 : i32
    %while3A_499 = arith.addi %sub3A_492, %while3A_498 : i32
    %while3A_500 = arith.constant 1 : i32
    scf.for %while3A_511 = %sub3A_492 to %while3A_499 step %while3A_500  : i32 {
      %rem3A_512 = arith.constant 16 : i32
      %rem3A_513 = arith.remsi %while3A_511, %rem3A_512 : i32
      %dma_wait3A_514 = arith.constant 0 : i32
      %dma_wait3A_515 = arith.constant 0 : i32
      %dma_wait3A_516 = tpu.memref_slice %arg8[%rem3A_513, %dma_wait3A_514, %dma_wait3A_515] : memref<16x128x32xf32, #tpu.memory_space<vmem>> -> memref<1x128x32xf32, #tpu.memory_space<vmem>>
      %dma_wait3A_517 = tpu.memref_squeeze %dma_wait3A_516 : memref<1x128x32xf32, #tpu.memory_space<vmem>> -> memref<128x32xf32, #tpu.memory_space<vmem>>
      %dma_wait3A_518 = arith.constant 0 : i32
      %dma_wait3A_519 = tpu.memref_slice %arg7[%while3A_511, %dma_wait3A_518] : memref<79x128xi32, #tpu.memory_space<vmem>> -> memref<1x128xi32, #tpu.memory_space<vmem>>
      %dma_wait3A_520 = tpu.memref_squeeze %dma_wait3A_519 : memref<1x128xi32, #tpu.memory_space<vmem>> -> memref<128xi32, #tpu.memory_space<vmem>>
      %dma_wait3A_521 = arith.constant 0 : i32
      %dma_wait3A_522 = arith.constant 0 : i32
      %dma_wait3A_523 = tpu.memref_slice %arg9[%dma_wait3A_521, %dma_wait3A_522] : memref<10240x32xf32, #tpu.memory_space<vmem_shared>> -> memref<10240x32xf32, #tpu.memory_space<vmem_shared>>
      tpu.wait_indirect_dma semaphore(%arg12 : memref<!tpu.dma_semaphore, #tpu.memory_space<semaphore_mem>>) src(%dma_wait3A_517 : memref<128x32xf32, #tpu.memory_space<vmem>>) dst(%dma_wait3A_523 : memref<10240x32xf32, #tpu.memory_space<vmem_shared>>)
    }
    %while3A_501 = arith.constant 1 : i32
    scf.for %while3A_511 = %while3A_499 to %while3A_495 step %while3A_501  : i32 {
      %rem3A_512 = arith.constant 16 : i32
      %rem3A_513 = arith.remsi %while3A_511, %rem3A_512 : i32
      %dma_wait3A_514 = arith.constant 0 : i32
      %dma_wait3A_515 = arith.constant 0 : i32
      %dma_wait3A_516 = tpu.memref_slice %arg8[%rem3A_513, %dma_wait3A_514, %dma_wait3A_515] : memref<16x128x32xf32, #tpu.memory_space<vmem>> -> memref<1x128x32xf32, #tpu.memory_space<vmem>>
      %dma_wait3A_517 = tpu.memref_squeeze %dma_wait3A_516 : memref<1x128x32xf32, #tpu.memory_space<vmem>> -> memref<128x32xf32, #tpu.memory_space<vmem>>
      %dma_wait3A_518 = arith.constant 0 : i32
      %dma_wait3A_519 = tpu.memref_slice %arg7[%while3A_511, %dma_wait3A_518] : memref<79x128xi32, #tpu.memory_space<vmem>> -> memref<1x128xi32, #tpu.memory_space<vmem>>
      %dma_wait3A_520 = tpu.memref_squeeze %dma_wait3A_519 : memref<1x128xi32, #tpu.memory_space<vmem>> -> memref<128xi32, #tpu.memory_space<vmem>>
      %dma_wait3A_521 = arith.constant 0 : i32
      %dma_wait3A_522 = arith.constant 0 : i32
      %dma_wait3A_523 = tpu.memref_slice %arg9[%dma_wait3A_521, %dma_wait3A_522] : memref<10240x32xf32, #tpu.memory_space<vmem_shared>> -> memref<10240x32xf32, #tpu.memory_space<vmem_shared>>
      tpu.wait_indirect_dma semaphore(%arg12 : memref<!tpu.dma_semaphore, #tpu.memory_space<semaphore_mem>>) src(%dma_wait3A_517 : memref<128x32xf32, #tpu.memory_space<vmem>>) dst(%dma_wait3A_523 : memref<10240x32xf32, #tpu.memory_space<vmem_shared>>)
    }
    %barrier3A_502 = arith.constant 0 : index
    tpu.barrier barrier_id(%barrier3A_502)
    %mul3A_503 = arith.constant 2 : i32
    %mul3A_504 = arith.muli %arg1, %mul3A_503 : i32
    %mul3A_505 = arith.constant 320 : i32
    %mul3A_506 = arith.muli %mul3A_504, %mul3A_505 : i32
    %mul3A_507 = arith.constant 2 : i32
    %mul3A_508 = arith.muli %arg1, %mul3A_507 : i32
    %mul3A_509 = arith.constant 320 : i32
    %mul3A_510 = arith.muli %mul3A_508, %mul3A_509 : i32
    "tpu.region"() ({
      %run_scoped3A_511 = tpu.sem_alloc : memref<!tpu.dma_semaphore, #tpu.memory_space<semaphore_mem>>
      %dma_start3A_512 = arith.constant 0 : i32
      %dma_start3A_513 = tpu.memref_slice %arg5[%arg0, %mul3A_510, %dma_start3A_512] : memref<2x10240x128xf32, #tpu.memory_space<hbm>> -> memref<1x640x32xf32, #tpu.memory_space<hbm>>
      %dma_start3A_514 = tpu.memref_squeeze %dma_start3A_513 : memref<1x640x32xf32, #tpu.memory_space<hbm>> -> memref<640x32xf32, #tpu.memory_space<hbm>>
      %dma_start3A_515 = arith.constant 0 : i32
      %dma_start3A_516 = tpu.memref_slice %arg9[%mul3A_506, %dma_start3A_515] : memref<10240x32xf32, #tpu.memory_space<vmem_shared>> -> memref<640x32xf32, #tpu.memory_space<vmem_shared>>
      tpu.enqueue_dma source(%dma_start3A_516 : memref<640x32xf32, #tpu.memory_space<vmem_shared>>) target(%dma_start3A_514 : memref<640x32xf32, #tpu.memory_space<hbm>>) target_semaphore(%run_scoped3A_511 : memref<!tpu.dma_semaphore, #tpu.memory_space<semaphore_mem>>)
      %dma_wait3A_517 = arith.constant 0 : i32
      %dma_wait3A_518 = tpu.memref_slice %arg5[%arg0, %mul3A_510, %dma_wait3A_517] : memref<2x10240x128xf32, #tpu.memory_space<hbm>> -> memref<1x640x32xf32, #tpu.memory_space<hbm>>
      %dma_wait3A_519 = tpu.memref_squeeze %dma_wait3A_518 : memref<1x640x32xf32, #tpu.memory_space<hbm>> -> memref<640x32xf32, #tpu.memory_space<hbm>>
      %dma_wait3A_520 = arith.constant 0 : i32
      %dma_wait3A_521 = tpu.memref_slice %arg9[%mul3A_506, %dma_wait3A_520] : memref<10240x32xf32, #tpu.memory_space<vmem_shared>> -> memref<640x32xf32, #tpu.memory_space<vmem_shared>>
      tpu.wait_dma2 semaphore(%run_scoped3A_511 : memref<!tpu.dma_semaphore, #tpu.memory_space<semaphore_mem>>) src(%dma_wait3A_521 : memref<640x32xf32, #tpu.memory_space<vmem_shared>>) dst(%dma_wait3A_519 : memref<640x32xf32, #tpu.memory_space<hbm>>)
      tpu.yield
    }) : () -> ()
    return
  }
}

module attributes {stable_mosaic.version = 14 : i64} {
  func.func @_pass_a(%arg0: i32, %arg1: memref<2000x128xf32, #tpu.memory_space<vmem>>, %arg2: memref<128x128xf32, #tpu.memory_space<vmem>>, %arg3: memref<1x128xf32, #tpu.memory_space<vmem>>, %arg4: memref<128x128xf32, #tpu.memory_space<vmem>>, %arg5: memref<1x128xf32, #tpu.memory_space<vmem>>, %arg6: memref<2000x128xf32, #tpu.memory_space<vmem>>, %arg7: memref<32x128xf32, #tpu.memory_space<vmem>>) attributes {dimension_semantics = [#tpu.dimension_semantics<arbitrary>], iteration_bounds = array<i64: 5>, scalar_prefetch = 0 : i64, scratch_operands = 0 : i64, tpu.core_type = #tpu.core_type<tc>, window_params = [{transform_indices = @transform_0, window_bounds = array<i64: 2000, 128>}, {pipeline_mode = #tpu.pipeline_mode<synchronous>, transform_indices = @transform_1, window_bounds = array<i64: 128, 128>}, {pipeline_mode = #tpu.pipeline_mode<synchronous>, transform_indices = @transform_2, window_bounds = array<i64: 1, 128>}, {pipeline_mode = #tpu.pipeline_mode<synchronous>, transform_indices = @transform_3, window_bounds = array<i64: 128, 128>}, {pipeline_mode = #tpu.pipeline_mode<synchronous>, transform_indices = @transform_4, window_bounds = array<i64: 1, 128>}, {transform_indices = @transform_5, window_bounds = array<i64: 2000, 128>}, {pipeline_mode = #tpu.pipeline_mode<synchronous>, transform_indices = @transform_6, window_bounds = array<i64: 32, 128>}]} {
    %get3A = arith.constant 0 : index
    %get3A_0 = arith.constant 0 : index
    %get3A_1 = vector.load %arg1[%get3A, %get3A_0] : memref<2000x128xf32, #tpu.memory_space<vmem>>, vector<2000x128xf32>
    %get3A_2 = arith.constant 0 : index
    %get3A_3 = arith.constant 0 : index
    %get3A_4 = vector.load %arg2[%get3A_2, %get3A_3] : memref<128x128xf32, #tpu.memory_space<vmem>>, vector<128x128xf32>
    %dot_general3A = arith.constant dense<0.000000e+00> : vector<2000x128xf32>
    %dot_general3A_5 = tpu.matmul %get3A_1, %get3A_4, %dot_general3A {dimension_numbers = #tpu.dot_dimension_numbers<[1], [0], [0], [1], [0, 0, 1, 1], [], []>, transpose_lhs_hint = false} : vector<2000x128xf32>, vector<128x128xf32>, vector<2000x128xf32> -> vector<2000x128xf32>
    %get3A_6 = arith.constant 0 : index
    %get3A_7 = arith.constant 0 : index
    %get3A_8 = vector.load %arg3[%get3A_6, %get3A_7] : memref<1x128xf32, #tpu.memory_space<vmem>>, vector<1x128xf32>
    %add3A = vector.broadcast %get3A_8 : vector<1x128xf32> to vector<2000x128xf32>
    %add3A_9 = arith.addf %dot_general3A_5, %add3A : vector<2000x128xf32>
    %reduce_max3A = arith.constant dense<0xFF800000> : vector<2000xf32>
    %reduce_max3A_10 = vector.multi_reduction <maximumf>, %add3A_9, %reduce_max3A [1] : vector<2000x128xf32> to vector<2000xf32>
    %broadcast_in_dim3A = vector.shape_cast %reduce_max3A_10 : vector<2000xf32> to vector<2000x1xf32>
    %sub3A = vector.broadcast %broadcast_in_dim3A : vector<2000x1xf32> to vector<2000x128xf32>
    %sub3A_11 = arith.subf %add3A_9, %sub3A : vector<2000x128xf32>
    %exp3A = math.exp %sub3A_11 : vector<2000x128xf32>
    %reduce_sum3A = arith.constant dense<0.000000e+00> : vector<2000xf32>
    %reduce_sum3A_12 = vector.multi_reduction <add>, %exp3A, %reduce_sum3A [1] : vector<2000x128xf32> to vector<2000xf32>
    %broadcast_in_dim3A_13 = vector.shape_cast %reduce_sum3A_12 : vector<2000xf32> to vector<2000x1xf32>
    %div3A = vector.broadcast %broadcast_in_dim3A_13 : vector<2000x1xf32> to vector<2000x128xf32>
    %div3A_14 = arith.divf %exp3A, %div3A : vector<2000x128xf32>
    %iota3A = tpu.iota {dimensions = array<i32: 1>} : vector<2000x128xi32>
    %eq3A = arith.constant 30 : i32
    %eq3A_15 = vector.broadcast %eq3A : i32 to vector<2000x128xi32>
    %eq3A_16 = arith.cmpi eq, %iota3A, %eq3A_15 : vector<2000x128xi32>
    %jit3A = arith.constant 1.000000e+00 : f32
    %broadcast_in_dim3A_17 = vector.broadcast %jit3A : f32 to vector<2000x128xf32>
    %select_n3A = arith.select %eq3A_16, %broadcast_in_dim3A_17, %div3A_14 : vector<2000x128xi1>, vector<2000x128xf32>
    %swap3A = arith.constant 0 : index
    %swap3A_18 = arith.constant 0 : index
    %swap3A_19 = vector.load %arg6[%swap3A, %swap3A_18] : memref<2000x128xf32, #tpu.memory_space<vmem>>, vector<2000x128xf32>
    tpu.vector_store %arg6[%swap3A, %swap3A_18], %select_n3A {strides = array<i32>} : memref<2000x128xf32, #tpu.memory_space<vmem>>, vector<2000x128xf32>,
    %get3A_20 = arith.constant 0 : index
    %get3A_21 = arith.constant 0 : index
    %get3A_22 = vector.load %arg4[%get3A_20, %get3A_21] : memref<128x128xf32, #tpu.memory_space<vmem>>, vector<128x128xf32>
    %dot_general3A_23 = arith.constant dense<0.000000e+00> : vector<2000x128xf32>
    %dot_general3A_24 = tpu.matmul %get3A_1, %get3A_22, %dot_general3A_23 {dimension_numbers = #tpu.dot_dimension_numbers<[1], [0], [0], [1], [0, 0, 1, 1], [], []>, transpose_lhs_hint = false} : vector<2000x128xf32>, vector<128x128xf32>, vector<2000x128xf32> -> vector<2000x128xf32>
    %get3A_25 = arith.constant 0 : index
    %get3A_26 = arith.constant 0 : index
    %get3A_27 = vector.load %arg5[%get3A_25, %get3A_26] : memref<1x128xf32, #tpu.memory_space<vmem>>, vector<1x128xf32>
    %add3A_28 = vector.broadcast %get3A_27 : vector<1x128xf32> to vector<2000x128xf32>
    %add3A_29 = arith.addf %dot_general3A_24, %add3A_28 : vector<2000x128xf32>
    %slice3A = vector.extract_strided_slice %select_n3A {offsets = [0, 0], sizes = [2000, 32], strides = [1, 1]} : vector<2000x128xf32> to vector<2000x32xf32>
    %dot_general3A_30 = arith.constant dense<0.000000e+00> : vector<32x128xf32>
    %dot_general3A_31 = tpu.matmul %slice3A, %add3A_29, %dot_general3A_30 {dimension_numbers = #tpu.dot_dimension_numbers<[0], [0], [1], [1], [0, 1, 1, 1], [], []>, transpose_lhs_hint = false} : vector<2000x32xf32>, vector<2000x128xf32>, vector<32x128xf32> -> vector<32x128xf32>
    %eq3A_32 = arith.constant 0 : i32
    %eq3A_33 = arith.cmpi eq, %arg0, %eq3A_32 : i32
    %convert_element_type3A = arith.extui %eq3A_33 : i1 to i32
    %cond3A = arith.constant 0 : i32
    %cond3A_34 = arith.cmpi ne, %convert_element_type3A, %cond3A : i32
    scf.if %cond3A_34 {
      %swap3A_39 = arith.constant 0 : index
      %swap3A_40 = arith.constant 0 : index
      %swap3A_41 = vector.load %arg7[%swap3A_39, %swap3A_40] : memref<32x128xf32, #tpu.memory_space<vmem>>, vector<32x128xf32>
      tpu.vector_store %arg7[%swap3A_39, %swap3A_40], %dot_general3A_31 {strides = array<i32>} : memref<32x128xf32, #tpu.memory_space<vmem>>, vector<32x128xf32>,
    } else {
    }
    %gt3A = arith.constant 0 : i32
    %gt3A_35 = arith.cmpi sgt, %arg0, %gt3A : i32
    %convert_element_type3A_36 = arith.extui %gt3A_35 : i1 to i32
    %cond3A_37 = arith.constant 0 : i32
    %cond3A_38 = arith.cmpi ne, %convert_element_type3A_36, %cond3A_37 : i32
    scf.if %cond3A_38 {
      %get3A_39 = arith.constant 0 : index
      %get3A_40 = arith.constant 0 : index
      %get3A_41 = vector.load %arg7[%get3A_39, %get3A_40] : memref<32x128xf32, #tpu.memory_space<vmem>>, vector<32x128xf32>
      %add3A_42 = arith.addf %get3A_41, %dot_general3A_31 : vector<32x128xf32>
      %swap3A_43 = arith.constant 0 : index
      %swap3A_44 = arith.constant 0 : index
      %swap3A_45 = vector.load %arg7[%swap3A_43, %swap3A_44] : memref<32x128xf32, #tpu.memory_space<vmem>>, vector<32x128xf32>
      tpu.vector_store %arg7[%swap3A_43, %swap3A_44], %add3A_42 {strides = array<i32>} : memref<32x128xf32, #tpu.memory_space<vmem>>, vector<32x128xf32>,
    } else {
    }
    return
  }
  func.func @transform_0(%arg0: i32) -> (i32, i32) {
    %c0_i32 = arith.constant 0 : i32
    %c0_i32_0 = arith.constant 0 : i32
    return %arg0, %c0_i32 : i32, i32
  }
  func.func @transform_1(%arg0: i32) -> (i32, i32) {
    %c0_i32 = arith.constant 0 : i32
    %c0_i32_0 = arith.constant 0 : i32
    %c0_i32_1 = arith.constant 0 : i32
    return %c0_i32, %c0_i32_0 : i32, i32
  }
  func.func @transform_2(%arg0: i32) -> (i32, i32) {
    %c0_i32 = arith.constant 0 : i32
    %c0_i32_0 = arith.constant 0 : i32
    %c0_i32_1 = arith.constant 0 : i32
    return %c0_i32, %c0_i32_0 : i32, i32
  }
  func.func @transform_3(%arg0: i32) -> (i32, i32) {
    %c0_i32 = arith.constant 0 : i32
    %c0_i32_0 = arith.constant 0 : i32
    %c0_i32_1 = arith.constant 0 : i32
    return %c0_i32, %c0_i32_0 : i32, i32
  }
  func.func @transform_4(%arg0: i32) -> (i32, i32) {
    %c0_i32 = arith.constant 0 : i32
    %c0_i32_0 = arith.constant 0 : i32
    %c0_i32_1 = arith.constant 0 : i32
    return %c0_i32, %c0_i32_0 : i32, i32
  }
  func.func @transform_5(%arg0: i32) -> (i32, i32) {
    %c0_i32 = arith.constant 0 : i32
    %c0_i32_0 = arith.constant 0 : i32
    return %arg0, %c0_i32 : i32, i32
  }
  func.func @transform_6(%arg0: i32) -> (i32, i32) {
    %c0_i32 = arith.constant 0 : i32
    %c0_i32_0 = arith.constant 0 : i32
    %c0_i32_1 = arith.constant 0 : i32
    return %c0_i32, %c0_i32_0 : i32, i32
  }
}

module attributes {stable_mosaic.version = 14 : i64} {
  func.func @_pass_c(%arg0: i32, %arg1: memref<2000x128xf32, #tpu.memory_space<vmem>>, %arg2: memref<2x2000x128xf32, #tpu.memory_space<vmem>>, %arg3: memref<32x128xf32, #tpu.memory_space<vmem>>, %arg4: memref<128x128xf32, #tpu.memory_space<vmem>>, %arg5: memref<128x128xf32, #tpu.memory_space<vmem>>, %arg6: memref<1x128xf32, #tpu.memory_space<vmem>>, %arg7: memref<1x128xf32, #tpu.memory_space<vmem>>, %arg8: memref<1x1xf32, #tpu.memory_space<vmem>>, %arg9: memref<128x128xf32, #tpu.memory_space<vmem>>, %arg10: memref<1x128xf32, #tpu.memory_space<vmem>>, %arg11: memref<128x128xf32, #tpu.memory_space<vmem>>, %arg12: memref<128x128xf32, #tpu.memory_space<vmem>>, %arg13: memref<1x128xf32, #tpu.memory_space<vmem>>, %arg14: memref<1x128xf32, #tpu.memory_space<vmem>>, %arg15: memref<1x1xf32, #tpu.memory_space<vmem>>, %arg16: memref<128x128xf32, #tpu.memory_space<vmem>>, %arg17: memref<1x128xf32, #tpu.memory_space<vmem>>, %arg18: memref<128x64xf32, #tpu.memory_space<vmem>>, %arg19: memref<1x64xf32, #tpu.memory_space<vmem>>, %arg20: memref<30x64xf32, #tpu.memory_space<vmem>>, %arg21: memref<1x1xf32, #tpu.memory_space<vmem>>, %arg22: memref<1x1xf32, #tpu.memory_space<vmem>>, %arg23: memref<32x32xf32, #tpu.memory_space<vmem>>, %arg24: memref<32x32xf32, #tpu.memory_space<vmem>>) attributes {dimension_semantics = [#tpu.dimension_semantics<arbitrary>], iteration_bounds = array<i64: 5>, scalar_prefetch = 0 : i64, scratch_operands = 2 : i64, tpu.core_type = #tpu.core_type<tc>, window_params = [{transform_indices = @transform_0, window_bounds = array<i64: 2000, 128>}, {transform_indices = @transform_1, window_bounds = array<i64: 2, 2000, 128>}, {pipeline_mode = #tpu.pipeline_mode<synchronous>, transform_indices = @transform_2, window_bounds = array<i64: 32, 128>}, {pipeline_mode = #tpu.pipeline_mode<synchronous>, transform_indices = @transform_3, window_bounds = array<i64: 128, 128>}, {pipeline_mode = #tpu.pipeline_mode<synchronous>, transform_indices = @transform_4, window_bounds = array<i64: 128, 128>}, {pipeline_mode = #tpu.pipeline_mode<synchronous>, transform_indices = @transform_5, window_bounds = array<i64: 1, 128>}, {pipeline_mode = #tpu.pipeline_mode<synchronous>, transform_indices = @transform_6, window_bounds = array<i64: 1, 128>}, {pipeline_mode = #tpu.pipeline_mode<synchronous>, transform_indices = @transform_7, window_bounds = array<i64: 1, 1>}, {pipeline_mode = #tpu.pipeline_mode<synchronous>, transform_indices = @transform_8, window_bounds = array<i64: 128, 128>}, {pipeline_mode = #tpu.pipeline_mode<synchronous>, transform_indices = @transform_9, window_bounds = array<i64: 1, 128>}, {pipeline_mode = #tpu.pipeline_mode<synchronous>, transform_indices = @transform_10, window_bounds = array<i64: 128, 128>}, {pipeline_mode = #tpu.pipeline_mode<synchronous>, transform_indices = @transform_11, window_bounds = array<i64: 128, 128>}, {pipeline_mode = #tpu.pipeline_mode<synchronous>, transform_indices = @transform_12, window_bounds = array<i64: 1, 128>}, {pipeline_mode = #tpu.pipeline_mode<synchronous>, transform_indices = @transform_13, window_bounds = array<i64: 1, 128>}, {pipeline_mode = #tpu.pipeline_mode<synchronous>, transform_indices = @transform_14, window_bounds = array<i64: 1, 1>}, {pipeline_mode = #tpu.pipeline_mode<synchronous>, transform_indices = @transform_15, window_bounds = array<i64: 128, 128>}, {pipeline_mode = #tpu.pipeline_mode<synchronous>, transform_indices = @transform_16, window_bounds = array<i64: 1, 128>}, {pipeline_mode = #tpu.pipeline_mode<synchronous>, transform_indices = @transform_17, window_bounds = array<i64: 128, 64>}, {pipeline_mode = #tpu.pipeline_mode<synchronous>, transform_indices = @transform_18, window_bounds = array<i64: 1, 64>}, {pipeline_mode = #tpu.pipeline_mode<synchronous>, transform_indices = @transform_19, window_bounds = array<i64: 30, 64>}, {pipeline_mode = #tpu.pipeline_mode<synchronous>, transform_indices = @transform_20, window_bounds = array<i64: 1, 1>}, {pipeline_mode = #tpu.pipeline_mode<synchronous>, transform_indices = @transform_21, window_bounds = array<i64: 1, 1>}]} {
    %get3A = arith.constant 0 : index
    %get3A_0 = arith.constant 0 : index
    %get3A_1 = vector.load %arg1[%get3A, %get3A_0] : memref<2000x128xf32, #tpu.memory_space<vmem>>, vector<2000x128xf32>
    %slice3A = vector.extract_strided_slice %get3A_1 {offsets = [0, 0], sizes = [2000, 32], strides = [1, 1]} : vector<2000x128xf32> to vector<2000x32xf32>
    %get3A_2 = arith.constant 0 : index
    %get3A_3 = arith.constant 0 : index
    %get3A_4 = arith.constant 0 : index
    %get3A_5 = vector.load %arg2[%get3A_2, %get3A_3, %get3A_4] : memref<2x2000x128xf32, #tpu.memory_space<vmem>>, vector<1x2000x32xf32>
    %get3A_6 = vector.shape_cast %get3A_5 : vector<1x2000x32xf32> to vector<2000x32xf32>
    %get3A_7 = arith.constant 1 : index
    %get3A_8 = arith.constant 0 : index
    %get3A_9 = arith.constant 0 : index
    %get3A_10 = vector.load %arg2[%get3A_7, %get3A_8, %get3A_9] : memref<2x2000x128xf32, #tpu.memory_space<vmem>>, vector<1x2000x32xf32>
    %get3A_11 = vector.shape_cast %get3A_10 : vector<1x2000x32xf32> to vector<2000x32xf32>
    %add3A = arith.addf %get3A_6, %get3A_11 : vector<2000x32xf32>
    %dot_general3A = arith.constant dense<0.000000e+00> : vector<32x32xf32>
    %dot_general3A_12 = tpu.matmul %slice3A, %add3A, %dot_general3A {dimension_numbers = #tpu.dot_dimension_numbers<[0], [0], [1], [1], [0, 1, 1, 1], [], []>, transpose_lhs_hint = false} : vector<2000x32xf32>, vector<2000x32xf32>, vector<32x32xf32> -> vector<32x32xf32>
    %dot_general3A_13 = arith.constant dense<0.000000e+00> : vector<32x32xf32>
    %dot_general3A_14 = tpu.matmul %slice3A, %slice3A, %dot_general3A_13 {dimension_numbers = #tpu.dot_dimension_numbers<[0], [0], [1], [1], [0, 1, 1, 1], [], []>, transpose_lhs_hint = false} : vector<2000x32xf32>, vector<2000x32xf32>, vector<32x32xf32> -> vector<32x32xf32>
    %eq3A = arith.constant 0 : i32
    %eq3A_15 = arith.cmpi eq, %arg0, %eq3A : i32
    %convert_element_type3A = arith.extui %eq3A_15 : i1 to i32
    %cond3A = arith.constant 0 : i32
    %cond3A_16 = arith.cmpi ne, %convert_element_type3A, %cond3A : i32
    scf.if %cond3A_16 {
      %swap3A = arith.constant 0 : index
      %swap3A_26 = arith.constant 0 : index
      %swap3A_27 = vector.load %arg23[%swap3A, %swap3A_26] : memref<32x32xf32, #tpu.memory_space<vmem>>, vector<32x32xf32>
      tpu.vector_store %arg23[%swap3A, %swap3A_26], %dot_general3A_12 {strides = array<i32>} : memref<32x32xf32, #tpu.memory_space<vmem>>, vector<32x32xf32>,
      %swap3A_28 = arith.constant 0 : index
      %swap3A_29 = arith.constant 0 : index
      %swap3A_30 = vector.load %arg24[%swap3A_28, %swap3A_29] : memref<32x32xf32, #tpu.memory_space<vmem>>, vector<32x32xf32>
      tpu.vector_store %arg24[%swap3A_28, %swap3A_29], %dot_general3A_14 {strides = array<i32>} : memref<32x32xf32, #tpu.memory_space<vmem>>, vector<32x32xf32>,
    } else {
    }
    %gt3A = arith.constant 0 : i32
    %gt3A_17 = arith.cmpi sgt, %arg0, %gt3A : i32
    %convert_element_type3A_18 = arith.extui %gt3A_17 : i1 to i32
    %cond3A_19 = arith.constant 0 : i32
    %cond3A_20 = arith.cmpi ne, %convert_element_type3A_18, %cond3A_19 : i32
    scf.if %cond3A_20 {
      %get3A_26 = arith.constant 0 : index
      %get3A_27 = arith.constant 0 : index
      %get3A_28 = vector.load %arg23[%get3A_26, %get3A_27] : memref<32x32xf32, #tpu.memory_space<vmem>>, vector<32x32xf32>
      %add3A_29 = arith.addf %get3A_28, %dot_general3A_12 : vector<32x32xf32>
      %swap3A = arith.constant 0 : index
      %swap3A_30 = arith.constant 0 : index
      %swap3A_31 = vector.load %arg23[%swap3A, %swap3A_30] : memref<32x32xf32, #tpu.memory_space<vmem>>, vector<32x32xf32>
      tpu.vector_store %arg23[%swap3A, %swap3A_30], %add3A_29 {strides = array<i32>} : memref<32x32xf32, #tpu.memory_space<vmem>>, vector<32x32xf32>,
      %get3A_32 = arith.constant 0 : index
      %get3A_33 = arith.constant 0 : index
      %get3A_34 = vector.load %arg24[%get3A_32, %get3A_33] : memref<32x32xf32, #tpu.memory_space<vmem>>, vector<32x32xf32>
      %add3A_35 = arith.addf %get3A_34, %dot_general3A_14 : vector<32x32xf32>
      %swap3A_36 = arith.constant 0 : index
      %swap3A_37 = arith.constant 0 : index
      %swap3A_38 = vector.load %arg24[%swap3A_36, %swap3A_37] : memref<32x32xf32, #tpu.memory_space<vmem>>, vector<32x32xf32>
      tpu.vector_store %arg24[%swap3A_36, %swap3A_37], %add3A_35 {strides = array<i32>} : memref<32x32xf32, #tpu.memory_space<vmem>>, vector<32x32xf32>,
    } else {
    }
    %eq3A_21 = arith.constant 4 : i32
    %eq3A_22 = arith.cmpi eq, %arg0, %eq3A_21 : i32
    %convert_element_type3A_23 = arith.extui %eq3A_22 : i1 to i32
    %cond3A_24 = arith.constant 0 : i32
    %cond3A_25 = arith.cmpi ne, %convert_element_type3A_23, %cond3A_24 : i32
    scf.if %cond3A_25 {
      %get3A_26 = arith.constant 0 : index
      %get3A_27 = arith.constant 0 : index
      %get3A_28 = vector.load %arg23[%get3A_26, %get3A_27] : memref<32x32xf32, #tpu.memory_space<vmem>>, vector<32x32xf32>
      %slice3A_29 = vector.extract_strided_slice %get3A_28 {offsets = [0, 0], sizes = [30, 30], strides = [1, 1]} : vector<32x32xf32> to vector<30x30xf32>
      %iota3A = tpu.iota {dimensions = array<i32: 0>} : vector<30x30xi32>
      %iota3A_30 = tpu.iota {dimensions = array<i32: 1>} : vector<30x30xi32>
      %eq3A_31 = arith.cmpi eq, %iota3A, %iota3A_30 : vector<30x30xi32>
      %convert_element_type3A_32 = arith.extui %eq3A_31 : vector<30x30xi1> to vector<30x30xi32>
      %convert_element_type3A_33 = arith.sitofp %convert_element_type3A_32 : vector<30x30xi32> to vector<30x30xf32>
      %mul3A = arith.mulf %slice3A_29, %convert_element_type3A_33 : vector<30x30xf32>
      %reduce_sum3A = vector.shape_cast %mul3A : vector<30x30xf32> to vector<1x30x30xf32>
      %reduce_sum3A_34 = arith.constant dense<0.000000e+00> : vector<1xf32>
      %reduce_sum3A_35 = vector.multi_reduction <add>, %reduce_sum3A, %reduce_sum3A_34 [1, 2] : vector<1x30x30xf32> to vector<1xf32>
      %reduce_sum3A_36 = vector.shape_cast %reduce_sum3A_35 : vector<1xf32> to vector<1x1x1xf32>
      %reduce_sum3A_37 = vector.extract %reduce_sum3A_36[0, 0, 0] : f32 from vector<1x1x1xf32>
      %broadcast_in_dim3A = vector.broadcast %reduce_sum3A_37 : f32 to vector<1x1xf32>
      %slice3A_38 = vector.extract_strided_slice %get3A_28 {offsets = [0, 30], sizes = [30, 1], strides = [1, 1]} : vector<32x32xf32> to vector<30x1xf32>
      %reduce_sum3A_39 = vector.shape_cast %slice3A_38 : vector<30x1xf32> to vector<1x30x1xf32>
      %reduce_sum3A_40 = arith.constant dense<0.000000e+00> : vector<1xf32>
      %reduce_sum3A_41 = vector.multi_reduction <add>, %reduce_sum3A_39, %reduce_sum3A_40 [1, 2] : vector<1x30x1xf32> to vector<1xf32>
      %reduce_sum3A_42 = vector.shape_cast %reduce_sum3A_41 : vector<1xf32> to vector<1x1x1xf32>
      %reduce_sum3A_43 = vector.extract %reduce_sum3A_42[0, 0, 0] : f32 from vector<1x1x1xf32>
      %broadcast_in_dim3A_44 = vector.broadcast %reduce_sum3A_43 : f32 to vector<1x1xf32>
      %neg3A = arith.constant 0.000000e+00 : f32
      %neg3A_45 = vector.broadcast %neg3A : f32 to vector<1x1xf32>
      %neg3A_46 = arith.subf %neg3A_45, %broadcast_in_dim3A : vector<1x1xf32>
      %add3A_47 = arith.constant 9.99999971E-10 : f32
      %add3A_48 = vector.broadcast %add3A_47 : f32 to vector<1x1xf32>
      %add3A_49 = arith.addf %broadcast_in_dim3A_44, %add3A_48 : vector<1x1xf32>
      %div3A = arith.divf %neg3A_46, %add3A_49 : vector<1x1xf32>
      %swap3A = arith.constant 0 : index
      %swap3A_50 = arith.constant 0 : index
      %swap3A_51 = vector.load %arg21[%swap3A, %swap3A_50] : memref<1x1xf32, #tpu.memory_space<vmem>>, vector<1x1xf32>
      tpu.vector_store %arg21[%swap3A, %swap3A_50], %div3A {strides = array<i32>} : memref<1x1xf32, #tpu.memory_space<vmem>>, vector<1x1xf32>,
      %get3A_52 = arith.constant 0 : index
      %get3A_53 = arith.constant 0 : index
      %get3A_54 = vector.load %arg24[%get3A_52, %get3A_53] : memref<32x32xf32, #tpu.memory_space<vmem>>, vector<30x30xf32>
      %sub3A = arith.subf %get3A_54, %convert_element_type3A_33 : vector<30x30xf32>
      %integer_pow3A = arith.mulf %sub3A, %sub3A : vector<30x30xf32>
      %reduce_sum3A_55 = vector.shape_cast %integer_pow3A : vector<30x30xf32> to vector<1x30x30xf32>
      %reduce_sum3A_56 = arith.constant dense<0.000000e+00> : vector<1xf32>
      %reduce_sum3A_57 = vector.multi_reduction <add>, %reduce_sum3A_55, %reduce_sum3A_56 [1, 2] : vector<1x30x30xf32> to vector<1xf32>
      %reduce_sum3A_58 = vector.shape_cast %reduce_sum3A_57 : vector<1xf32> to vector<1x1x1xf32>
      %reduce_sum3A_59 = vector.extract %reduce_sum3A_58[0, 0, 0] : f32 from vector<1x1x1xf32>
      %broadcast_in_dim3A_60 = vector.broadcast %reduce_sum3A_59 : f32 to vector<1x1xf32>
      %sqrt3A = math.sqrt %broadcast_in_dim3A_60 : vector<1x1xf32>
      %swap3A_61 = arith.constant 0 : index
      %swap3A_62 = arith.constant 0 : index
      %swap3A_63 = vector.load %arg22[%swap3A_61, %swap3A_62] : memref<1x1xf32, #tpu.memory_space<vmem>>, vector<1x1xf32>
      tpu.vector_store %arg22[%swap3A_61, %swap3A_62], %sqrt3A {strides = array<i32>} : memref<1x1xf32, #tpu.memory_space<vmem>>, vector<1x1xf32>,
      %gt3A_64 = arith.constant 0.000000e+00 : f32
      %gt3A_65 = vector.broadcast %gt3A_64 : f32 to vector<30x30xf32>
      %gt3A_66 = arith.cmpf ogt, %slice3A_29, %gt3A_65 : vector<30x30xf32>
      %convert_element_type3A_67 = arith.extui %gt3A_66 : vector<30x30xi1> to vector<30x30xi32>
      %convert_element_type3A_68 = arith.sitofp %convert_element_type3A_67 : vector<30x30xi32> to vector<30x30xf32>
      %get3A_69 = arith.constant 0 : index
      %get3A_70 = arith.constant 0 : index
      %get3A_71 = vector.load %arg3[%get3A_69, %get3A_70] : memref<32x128xf32, #tpu.memory_space<vmem>>, vector<30x128xf32>
      %get3A_72 = arith.constant 0 : index
      %get3A_73 = arith.constant 0 : index
      %get3A_74 = vector.load %arg4[%get3A_72, %get3A_73] : memref<128x128xf32, #tpu.memory_space<vmem>>, vector<128x128xf32>
      %get3A_75 = arith.constant 0 : index
      %get3A_76 = arith.constant 0 : index
      %get3A_77 = vector.load %arg5[%get3A_75, %get3A_76] : memref<128x128xf32, #tpu.memory_space<vmem>>, vector<128x128xf32>
      %get3A_78 = arith.constant 0 : index
      %get3A_79 = arith.constant 0 : index
      %get3A_80 = vector.load %arg6[%get3A_78, %get3A_79] : memref<1x128xf32, #tpu.memory_space<vmem>>, vector<1x128xf32>
      %get3A_81 = arith.constant 0 : index
      %get3A_82 = arith.constant 0 : index
      %get3A_83 = vector.load %arg7[%get3A_81, %get3A_82] : memref<1x128xf32, #tpu.memory_space<vmem>>, vector<1x128xf32>
      %get3A_84 = arith.constant 0 : index
      %get3A_85 = arith.constant 0 : index
      %get3A_86 = vector.load %arg8[%get3A_84, %get3A_85] : memref<1x1xf32, #tpu.memory_space<vmem>>, vector<1x1xf32>
      %get3A_87 = arith.constant 0 : index
      %get3A_88 = arith.constant 0 : index
      %get3A_89 = vector.load %arg9[%get3A_87, %get3A_88] : memref<128x128xf32, #tpu.memory_space<vmem>>, vector<128x128xf32>
      %get3A_90 = arith.constant 0 : index
      %get3A_91 = arith.constant 0 : index
      %get3A_92 = vector.load %arg10[%get3A_90, %get3A_91] : memref<1x128xf32, #tpu.memory_space<vmem>>, vector<1x128xf32>
      %dot_general3A_93 = arith.constant dense<0.000000e+00> : vector<30x128xf32>
      %dot_general3A_94 = tpu.matmul %get3A_71, %get3A_74, %dot_general3A_93 {dimension_numbers = #tpu.dot_dimension_numbers<[1], [0], [0], [1], [0, 0, 1, 1], [], []>, transpose_lhs_hint = false} : vector<30x128xf32>, vector<128x128xf32>, vector<30x128xf32> -> vector<30x128xf32>
      %dot_general3A_95 = arith.constant dense<0.000000e+00> : vector<30x128xf32>
      %dot_general3A_96 = tpu.matmul %get3A_71, %get3A_77, %dot_general3A_95 {dimension_numbers = #tpu.dot_dimension_numbers<[1], [0], [0], [1], [0, 0, 1, 1], [], []>, transpose_lhs_hint = false} : vector<30x128xf32>, vector<128x128xf32>, vector<30x128xf32> -> vector<30x128xf32>
      %broadcast_in_dim3A_97 = vector.shape_cast %dot_general3A_94 : vector<30x128xf32> to vector<30x1x128xf32>
      %broadcast_in_dim3A_98 = vector.shape_cast %dot_general3A_96 : vector<30x128xf32> to vector<1x30x128xf32>
      %add3A_99 = vector.broadcast %broadcast_in_dim3A_97 : vector<30x1x128xf32> to vector<30x30x128xf32>
      %add3A_100 = vector.broadcast %broadcast_in_dim3A_98 : vector<1x30x128xf32> to vector<30x30x128xf32>
      %add3A_101 = arith.addf %add3A_99, %add3A_100 : vector<30x30x128xf32>
      %broadcast_in_dim3A_102 = vector.shape_cast %get3A_80 : vector<1x128xf32> to vector<1x1x128xf32>
      %add3A_103 = vector.broadcast %broadcast_in_dim3A_102 : vector<1x1x128xf32> to vector<30x30x128xf32>
      %add3A_104 = arith.addf %add3A_101, %add3A_103 : vector<30x30x128xf32>
      %max3A = arith.constant 0.000000e+00 : f32
      %max3A_105 = vector.broadcast %max3A : f32 to vector<30x30x128xf32>
      %max3A_106 = arith.maximumf %add3A_104, %max3A_105 : vector<30x30x128xf32>
      %broadcast_in_dim3A_107 = vector.shape_cast %get3A_83 : vector<1x128xf32> to vector<1x1x128xf32>
      %mul3A_108 = vector.broadcast %broadcast_in_dim3A_107 : vector<1x1x128xf32> to vector<30x30x128xf32>
      %mul3A_109 = arith.mulf %max3A_106, %mul3A_108 : vector<30x30x128xf32>
      %reduce_sum3A_110 = arith.constant dense<0.000000e+00> : vector<30x30xf32>
      %reduce_sum3A_111 = vector.multi_reduction <add>, %mul3A_109, %reduce_sum3A_110 [2] : vector<30x30x128xf32> to vector<30x30xf32>
      %add3A_112 = vector.broadcast %get3A_86 : vector<1x1xf32> to vector<30x30xf32>
      %add3A_113 = arith.addf %reduce_sum3A_111, %add3A_112 : vector<30x30xf32>
      %neg3A_114 = arith.constant 0.000000e+00 : f32
      %neg3A_115 = vector.broadcast %neg3A_114 : f32 to vector<30x30xf32>
      %neg3A_116 = arith.subf %neg3A_115, %add3A_113 : vector<30x30xf32>
      %exp3A = math.exp %neg3A_116 : vector<30x30xf32>
      %add3A_117 = arith.constant 1.000000e+00 : f32
      %add3A_118 = vector.broadcast %add3A_117 : f32 to vector<30x30xf32>
      %add3A_119 = arith.addf %add3A_118, %exp3A : vector<30x30xf32>
      %div3A_120 = arith.constant 1.000000e+00 : f32
      %div3A_121 = vector.broadcast %div3A_120 : f32 to vector<30x30xf32>
      %div3A_122 = arith.divf %div3A_121, %add3A_119 : vector<30x30xf32>
      %mul3A_123 = arith.mulf %div3A_122, %convert_element_type3A_68 : vector<30x30xf32>
      %reduce_sum3A_124 = arith.constant dense<0.000000e+00> : vector<30xf32>
      %reduce_sum3A_125 = vector.multi_reduction <add>, %mul3A_123, %reduce_sum3A_124 [1] : vector<30x30xf32> to vector<30xf32>
      %broadcast_in_dim3A_126 = vector.shape_cast %reduce_sum3A_125 : vector<30xf32> to vector<30x1xf32>
      %add3A_127 = arith.constant 9.99999971E-10 : f32
      %add3A_128 = vector.broadcast %add3A_127 : f32 to vector<30x1xf32>
      %add3A_129 = arith.addf %broadcast_in_dim3A_126, %add3A_128 : vector<30x1xf32>
      %div3A_130 = vector.broadcast %add3A_129 : vector<30x1xf32> to vector<30x30xf32>
      %div3A_131 = arith.divf %mul3A_123, %div3A_130 : vector<30x30xf32>
      %dot_general3A_132 = arith.constant dense<0.000000e+00> : vector<30x128xf32>
      %dot_general3A_133 = tpu.matmul %div3A_131, %get3A_71, %dot_general3A_132 {dimension_numbers = #tpu.dot_dimension_numbers<[1], [0], [0], [1], [0, 0, 1, 1], [], []>, transpose_lhs_hint = false} : vector<30x30xf32>, vector<30x128xf32>, vector<30x128xf32> -> vector<30x128xf32>
      %reduce_sum3A_134 = arith.constant dense<0.000000e+00> : vector<30xf32>
      %reduce_sum3A_135 = vector.multi_reduction <add>, %convert_element_type3A_68, %reduce_sum3A_134 [1] : vector<30x30xf32> to vector<30xf32>
      %broadcast_in_dim3A_136 = vector.shape_cast %reduce_sum3A_135 : vector<30xf32> to vector<30x1xf32>
      %gt3A_137 = arith.constant 0.000000e+00 : f32
      %gt3A_138 = vector.broadcast %gt3A_137 : f32 to vector<30x1xf32>
      %gt3A_139 = arith.cmpf ogt, %broadcast_in_dim3A_136, %gt3A_138 : vector<30x1xf32>
      %mul3A_140 = arith.constant 5.000000e-01 : f32
      %mul3A_141 = vector.broadcast %mul3A_140 : f32 to vector<30x128xf32>
      %mul3A_142 = arith.mulf %mul3A_141, %get3A_71 : vector<30x128xf32>
      %mul3A_143 = arith.constant 5.000000e-01 : f32
      %mul3A_144 = vector.broadcast %mul3A_143 : f32 to vector<30x128xf32>
      %mul3A_145 = arith.mulf %mul3A_144, %dot_general3A_133 : vector<30x128xf32>
      %add3A_146 = arith.addf %mul3A_142, %mul3A_145 : vector<30x128xf32>
      %broadcast_in_dim3A_147 = vector.shape_cast %gt3A_139 : vector<30x1xi1> to vector<30x1xi1>
      %broadcast_in_dim3A_148 = vector.broadcast %broadcast_in_dim3A_147 : vector<30x1xi1> to vector<30x128xi1>
      %select_n3A = arith.select %broadcast_in_dim3A_148, %add3A_146, %get3A_71 : vector<30x128xi1>, vector<30x128xf32>
      %dot_general3A_149 = arith.constant dense<0.000000e+00> : vector<30x128xf32>
      %dot_general3A_150 = tpu.matmul %select_n3A, %get3A_89, %dot_general3A_149 {dimension_numbers = #tpu.dot_dimension_numbers<[1], [0], [0], [1], [0, 0, 1, 1], [], []>, transpose_lhs_hint = false} : vector<30x128xf32>, vector<128x128xf32>, vector<30x128xf32> -> vector<30x128xf32>
      %add3A_151 = vector.broadcast %get3A_92 : vector<1x128xf32> to vector<30x128xf32>
      %add3A_152 = arith.addf %dot_general3A_150, %add3A_151 : vector<30x128xf32>
      %max3A_153 = arith.constant 0.000000e+00 : f32
      %max3A_154 = vector.broadcast %max3A_153 : f32 to vector<30x128xf32>
      %max3A_155 = arith.maximumf %add3A_152, %max3A_154 : vector<30x128xf32>
      %get3A_156 = arith.constant 0 : index
      %get3A_157 = arith.constant 0 : index
      %get3A_158 = vector.load %arg11[%get3A_156, %get3A_157] : memref<128x128xf32, #tpu.memory_space<vmem>>, vector<128x128xf32>
      %get3A_159 = arith.constant 0 : index
      %get3A_160 = arith.constant 0 : index
      %get3A_161 = vector.load %arg12[%get3A_159, %get3A_160] : memref<128x128xf32, #tpu.memory_space<vmem>>, vector<128x128xf32>
      %get3A_162 = arith.constant 0 : index
      %get3A_163 = arith.constant 0 : index
      %get3A_164 = vector.load %arg13[%get3A_162, %get3A_163] : memref<1x128xf32, #tpu.memory_space<vmem>>, vector<1x128xf32>
      %get3A_165 = arith.constant 0 : index
      %get3A_166 = arith.constant 0 : index
      %get3A_167 = vector.load %arg14[%get3A_165, %get3A_166] : memref<1x128xf32, #tpu.memory_space<vmem>>, vector<1x128xf32>
      %get3A_168 = arith.constant 0 : index
      %get3A_169 = arith.constant 0 : index
      %get3A_170 = vector.load %arg15[%get3A_168, %get3A_169] : memref<1x1xf32, #tpu.memory_space<vmem>>, vector<1x1xf32>
      %get3A_171 = arith.constant 0 : index
      %get3A_172 = arith.constant 0 : index
      %get3A_173 = vector.load %arg16[%get3A_171, %get3A_172] : memref<128x128xf32, #tpu.memory_space<vmem>>, vector<128x128xf32>
      %get3A_174 = arith.constant 0 : index
      %get3A_175 = arith.constant 0 : index
      %get3A_176 = vector.load %arg17[%get3A_174, %get3A_175] : memref<1x128xf32, #tpu.memory_space<vmem>>, vector<1x128xf32>
      %dot_general3A_177 = arith.constant dense<0.000000e+00> : vector<30x128xf32>
      %dot_general3A_178 = tpu.matmul %max3A_155, %get3A_158, %dot_general3A_177 {dimension_numbers = #tpu.dot_dimension_numbers<[1], [0], [0], [1], [0, 0, 1, 1], [], []>, transpose_lhs_hint = false} : vector<30x128xf32>, vector<128x128xf32>, vector<30x128xf32> -> vector<30x128xf32>
      %dot_general3A_179 = arith.constant dense<0.000000e+00> : vector<30x128xf32>
      %dot_general3A_180 = tpu.matmul %max3A_155, %get3A_161, %dot_general3A_179 {dimension_numbers = #tpu.dot_dimension_numbers<[1], [0], [0], [1], [0, 0, 1, 1], [], []>, transpose_lhs_hint = false} : vector<30x128xf32>, vector<128x128xf32>, vector<30x128xf32> -> vector<30x128xf32>
      %broadcast_in_dim3A_181 = vector.shape_cast %dot_general3A_178 : vector<30x128xf32> to vector<30x1x128xf32>
      %broadcast_in_dim3A_182 = vector.shape_cast %dot_general3A_180 : vector<30x128xf32> to vector<1x30x128xf32>
      %add3A_183 = vector.broadcast %broadcast_in_dim3A_181 : vector<30x1x128xf32> to vector<30x30x128xf32>
      %add3A_184 = vector.broadcast %broadcast_in_dim3A_182 : vector<1x30x128xf32> to vector<30x30x128xf32>
      %add3A_185 = arith.addf %add3A_183, %add3A_184 : vector<30x30x128xf32>
      %broadcast_in_dim3A_186 = vector.shape_cast %get3A_164 : vector<1x128xf32> to vector<1x1x128xf32>
      %add3A_187 = vector.broadcast %broadcast_in_dim3A_186 : vector<1x1x128xf32> to vector<30x30x128xf32>
      %add3A_188 = arith.addf %add3A_185, %add3A_187 : vector<30x30x128xf32>
      %max3A_189 = arith.constant 0.000000e+00 : f32
      %max3A_190 = vector.broadcast %max3A_189 : f32 to vector<30x30x128xf32>
      %max3A_191 = arith.maximumf %add3A_188, %max3A_190 : vector<30x30x128xf32>
      %broadcast_in_dim3A_192 = vector.shape_cast %get3A_167 : vector<1x128xf32> to vector<1x1x128xf32>
      %mul3A_193 = vector.broadcast %broadcast_in_dim3A_192 : vector<1x1x128xf32> to vector<30x30x128xf32>
      %mul3A_194 = arith.mulf %max3A_191, %mul3A_193 : vector<30x30x128xf32>
      %reduce_sum3A_195 = arith.constant dense<0.000000e+00> : vector<30x30xf32>
      %reduce_sum3A_196 = vector.multi_reduction <add>, %mul3A_194, %reduce_sum3A_195 [2] : vector<30x30x128xf32> to vector<30x30xf32>
      %add3A_197 = vector.broadcast %get3A_170 : vector<1x1xf32> to vector<30x30xf32>
      %add3A_198 = arith.addf %reduce_sum3A_196, %add3A_197 : vector<30x30xf32>
      %neg3A_199 = arith.constant 0.000000e+00 : f32
      %neg3A_200 = vector.broadcast %neg3A_199 : f32 to vector<30x30xf32>
      %neg3A_201 = arith.subf %neg3A_200, %add3A_198 : vector<30x30xf32>
      %exp3A_202 = math.exp %neg3A_201 : vector<30x30xf32>
      %add3A_203 = arith.constant 1.000000e+00 : f32
      %add3A_204 = vector.broadcast %add3A_203 : f32 to vector<30x30xf32>
      %add3A_205 = arith.addf %add3A_204, %exp3A_202 : vector<30x30xf32>
      %div3A_206 = arith.constant 1.000000e+00 : f32
      %div3A_207 = vector.broadcast %div3A_206 : f32 to vector<30x30xf32>
      %div3A_208 = arith.divf %div3A_207, %add3A_205 : vector<30x30xf32>
      %mul3A_209 = arith.mulf %div3A_208, %convert_element_type3A_68 : vector<30x30xf32>
      %reduce_sum3A_210 = arith.constant dense<0.000000e+00> : vector<30xf32>
      %reduce_sum3A_211 = vector.multi_reduction <add>, %mul3A_209, %reduce_sum3A_210 [1] : vector<30x30xf32> to vector<30xf32>
      %broadcast_in_dim3A_212 = vector.shape_cast %reduce_sum3A_211 : vector<30xf32> to vector<30x1xf32>
      %add3A_213 = arith.constant 9.99999971E-10 : f32
      %add3A_214 = vector.broadcast %add3A_213 : f32 to vector<30x1xf32>
      %add3A_215 = arith.addf %broadcast_in_dim3A_212, %add3A_214 : vector<30x1xf32>
      %div3A_216 = vector.broadcast %add3A_215 : vector<30x1xf32> to vector<30x30xf32>
      %div3A_217 = arith.divf %mul3A_209, %div3A_216 : vector<30x30xf32>
      %dot_general3A_218 = arith.constant dense<0.000000e+00> : vector<30x128xf32>
      %dot_general3A_219 = tpu.matmul %div3A_217, %max3A_155, %dot_general3A_218 {dimension_numbers = #tpu.dot_dimension_numbers<[1], [0], [0], [1], [0, 0, 1, 1], [], []>, transpose_lhs_hint = false} : vector<30x30xf32>, vector<30x128xf32>, vector<30x128xf32> -> vector<30x128xf32>
      %reduce_sum3A_220 = arith.constant dense<0.000000e+00> : vector<30xf32>
      %reduce_sum3A_221 = vector.multi_reduction <add>, %convert_element_type3A_68, %reduce_sum3A_220 [1] : vector<30x30xf32> to vector<30xf32>
      %broadcast_in_dim3A_222 = vector.shape_cast %reduce_sum3A_221 : vector<30xf32> to vector<30x1xf32>
      %gt3A_223 = arith.constant 0.000000e+00 : f32
      %gt3A_224 = vector.broadcast %gt3A_223 : f32 to vector<30x1xf32>
      %gt3A_225 = arith.cmpf ogt, %broadcast_in_dim3A_222, %gt3A_224 : vector<30x1xf32>
      %mul3A_226 = arith.constant 5.000000e-01 : f32
      %mul3A_227 = vector.broadcast %mul3A_226 : f32 to vector<30x128xf32>
      %mul3A_228 = arith.mulf %mul3A_227, %max3A_155 : vector<30x128xf32>
      %mul3A_229 = arith.constant 5.000000e-01 : f32
      %mul3A_230 = vector.broadcast %mul3A_229 : f32 to vector<30x128xf32>
      %mul3A_231 = arith.mulf %mul3A_230, %dot_general3A_219 : vector<30x128xf32>
      %add3A_232 = arith.addf %mul3A_228, %mul3A_231 : vector<30x128xf32>
      %broadcast_in_dim3A_233 = vector.shape_cast %gt3A_225 : vector<30x1xi1> to vector<30x1xi1>
      %broadcast_in_dim3A_234 = vector.broadcast %broadcast_in_dim3A_233 : vector<30x1xi1> to vector<30x128xi1>
      %select_n3A_235 = arith.select %broadcast_in_dim3A_234, %add3A_232, %max3A_155 : vector<30x128xi1>, vector<30x128xf32>
      %dot_general3A_236 = arith.constant dense<0.000000e+00> : vector<30x128xf32>
      %dot_general3A_237 = tpu.matmul %select_n3A_235, %get3A_173, %dot_general3A_236 {dimension_numbers = #tpu.dot_dimension_numbers<[1], [0], [0], [1], [0, 0, 1, 1], [], []>, transpose_lhs_hint = false} : vector<30x128xf32>, vector<128x128xf32>, vector<30x128xf32> -> vector<30x128xf32>
      %add3A_238 = vector.broadcast %get3A_176 : vector<1x128xf32> to vector<30x128xf32>
      %add3A_239 = arith.addf %dot_general3A_237, %add3A_238 : vector<30x128xf32>
      %max3A_240 = arith.constant 0.000000e+00 : f32
      %max3A_241 = vector.broadcast %max3A_240 : f32 to vector<30x128xf32>
      %max3A_242 = arith.maximumf %add3A_239, %max3A_241 : vector<30x128xf32>
      %get3A_243 = arith.constant 0 : index
      %get3A_244 = arith.constant 0 : index
      %get3A_245 = vector.load %arg18[%get3A_243, %get3A_244] : memref<128x64xf32, #tpu.memory_space<vmem>>, vector<128x64xf32>
      %dot_general3A_246 = arith.constant dense<0.000000e+00> : vector<30x64xf32>
      %dot_general3A_247 = tpu.matmul %max3A_242, %get3A_245, %dot_general3A_246 {dimension_numbers = #tpu.dot_dimension_numbers<[1], [0], [0], [1], [0, 0, 1, 1], [], []>, transpose_lhs_hint = false} : vector<30x128xf32>, vector<128x64xf32>, vector<30x64xf32> -> vector<30x64xf32>
      %get3A_248 = arith.constant 0 : index
      %get3A_249 = arith.constant 0 : index
      %get3A_250 = vector.load %arg19[%get3A_248, %get3A_249] : memref<1x64xf32, #tpu.memory_space<vmem>>, vector<1x64xf32>
      %add3A_251 = vector.broadcast %get3A_250 : vector<1x64xf32> to vector<30x64xf32>
      %add3A_252 = arith.addf %dot_general3A_247, %add3A_251 : vector<30x64xf32>
      %swap3A_253 = arith.constant 0 : index
      %swap3A_254 = arith.constant 0 : index
      %swap3A_255 = vector.load %arg20[%swap3A_253, %swap3A_254] : memref<30x64xf32, #tpu.memory_space<vmem>>, vector<30x64xf32>
      tpu.vector_store %arg20[%swap3A_253, %swap3A_254], %add3A_252 {strides = array<i32>} : memref<30x64xf32, #tpu.memory_space<vmem>>, vector<30x64xf32>,
    } else {
    }
    return
  }
  func.func @transform_0(%arg0: i32) -> (i32, i32) {
    %c0_i32 = arith.constant 0 : i32
    %c0_i32_0 = arith.constant 0 : i32
    return %arg0, %c0_i32 : i32, i32
  }
  func.func @transform_1(%arg0: i32) -> (i32, i32, i32) {
    %c0_i32 = arith.constant 0 : i32
    %c0_i32_0 = arith.constant 0 : i32
    %c0_i32_1 = arith.constant 0 : i32
    return %c0_i32, %arg0, %c0_i32_0 : i32, i32, i32
  }
  func.func @transform_2(%arg0: i32) -> (i32, i32) {
    %c0_i32 = arith.constant 0 : i32
    %c0_i32_0 = arith.constant 0 : i32
    %c0_i32_1 = arith.constant 0 : i32
    return %c0_i32, %c0_i32_0 : i32, i32
  }
  func.func @transform_3(%arg0: i32) -> (i32, i32) {
    %c0_i32 = arith.constant 0 : i32
    %c0_i32_0 = arith.constant 0 : i32
    %c0_i32_1 = arith.constant 0 : i32
    return %c0_i32, %c0_i32_0 : i32, i32
  }
  func.func @transform_4(%arg0: i32) -> (i32, i32) {
    %c0_i32 = arith.constant 0 : i32
    %c0_i32_0 = arith.constant 0 : i32
    %c0_i32_1 = arith.constant 0 : i32
    return %c0_i32, %c0_i32_0 : i32, i32
  }
  func.func @transform_5(%arg0: i32) -> (i32, i32) {
    %c0_i32 = arith.constant 0 : i32
    %c0_i32_0 = arith.constant 0 : i32
    %c0_i32_1 = arith.constant 0 : i32
    return %c0_i32, %c0_i32_0 : i32, i32
  }
  func.func @transform_6(%arg0: i32) -> (i32, i32) {
    %c0_i32 = arith.constant 0 : i32
    %c0_i32_0 = arith.constant 0 : i32
    %c0_i32_1 = arith.constant 0 : i32
    return %c0_i32, %c0_i32_0 : i32, i32
  }
  func.func @transform_7(%arg0: i32) -> (i32, i32) {
    %c0_i32 = arith.constant 0 : i32
    %c0_i32_0 = arith.constant 0 : i32
    %c0_i32_1 = arith.constant 0 : i32
    return %c0_i32, %c0_i32_0 : i32, i32
  }
  func.func @transform_8(%arg0: i32) -> (i32, i32) {
    %c0_i32 = arith.constant 0 : i32
    %c0_i32_0 = arith.constant 0 : i32
    %c0_i32_1 = arith.constant 0 : i32
    return %c0_i32, %c0_i32_0 : i32, i32
  }
  func.func @transform_9(%arg0: i32) -> (i32, i32) {
    %c0_i32 = arith.constant 0 : i32
    %c0_i32_0 = arith.constant 0 : i32
    %c0_i32_1 = arith.constant 0 : i32
    return %c0_i32, %c0_i32_0 : i32, i32
  }
  func.func @transform_10(%arg0: i32) -> (i32, i32) {
    %c0_i32 = arith.constant 0 : i32
    %c0_i32_0 = arith.constant 0 : i32
    %c0_i32_1 = arith.constant 0 : i32
    return %c0_i32, %c0_i32_0 : i32, i32
  }
  func.func @transform_11(%arg0: i32) -> (i32, i32) {
    %c0_i32 = arith.constant 0 : i32
    %c0_i32_0 = arith.constant 0 : i32
    %c0_i32_1 = arith.constant 0 : i32
    return %c0_i32, %c0_i32_0 : i32, i32
  }
  func.func @transform_12(%arg0: i32) -> (i32, i32) {
    %c0_i32 = arith.constant 0 : i32
    %c0_i32_0 = arith.constant 0 : i32
    %c0_i32_1 = arith.constant 0 : i32
    return %c0_i32, %c0_i32_0 : i32, i32
  }
  func.func @transform_13(%arg0: i32) -> (i32, i32) {
    %c0_i32 = arith.constant 0 : i32
    %c0_i32_0 = arith.constant 0 : i32
    %c0_i32_1 = arith.constant 0 : i32
    return %c0_i32, %c0_i32_0 : i32, i32
  }
  func.func @transform_14(%arg0: i32) -> (i32, i32) {
    %c0_i32 = arith.constant 0 : i32
    %c0_i32_0 = arith.constant 0 : i32
    %c0_i32_1 = arith.constant 0 : i32
    return %c0_i32, %c0_i32_0 : i32, i32
  }
  func.func @transform_15(%arg0: i32) -> (i32, i32) {
    %c0_i32 = arith.constant 0 : i32
    %c0_i32_0 = arith.constant 0 : i32
    %c0_i32_1 = arith.constant 0 : i32
    return %c0_i32, %c0_i32_0 : i32, i32
  }
  func.func @transform_16(%arg0: i32) -> (i32, i32) {
    %c0_i32 = arith.constant 0 : i32
    %c0_i32_0 = arith.constant 0 : i32
    %c0_i32_1 = arith.constant 0 : i32
    return %c0_i32, %c0_i32_0 : i32, i32
  }
  func.func @transform_17(%arg0: i32) -> (i32, i32) {
    %c0_i32 = arith.constant 0 : i32
    %c0_i32_0 = arith.constant 0 : i32
    %c0_i32_1 = arith.constant 0 : i32
    return %c0_i32, %c0_i32_0 : i32, i32
  }
  func.func @transform_18(%arg0: i32) -> (i32, i32) {
    %c0_i32 = arith.constant 0 : i32
    %c0_i32_0 = arith.constant 0 : i32
    %c0_i32_1 = arith.constant 0 : i32
    return %c0_i32, %c0_i32_0 : i32, i32
  }
  func.func @transform_19(%arg0: i32) -> (i32, i32) {
    %c0_i32 = arith.constant 0 : i32
    %c0_i32_0 = arith.constant 0 : i32
    %c0_i32_1 = arith.constant 0 : i32
    return %c0_i32, %c0_i32_0 : i32, i32
  }
  func.func @transform_20(%arg0: i32) -> (i32, i32) {
    %c0_i32 = arith.constant 0 : i32
    %c0_i32_0 = arith.constant 0 : i32
    %c0_i32_1 = arith.constant 0 : i32
    return %c0_i32, %c0_i32_0 : i32, i32
  }
  func.func @transform_21(%arg0: i32) -> (i32, i32) {
    %c0_i32 = arith.constant 0 : i32
    %c0_i32_0 = arith.constant 0 : i32
    %c0_i32_1 = arith.constant 0 : i32
    return %c0_i32, %c0_i32_0 : i32, i32
  }
}

</mosaic_0001>

<sc_bundles>
// kernel: kernel.5.cloned.1.call-start
scs
__scs_entry_jumppad:
0x0: {  	(pc) =	sbr.rel $0x88, $3  }
0x1: {  	(tag) =	ssettag $0x0;
	lr =	simm.s32 $0x1  }
0x2: {  	[smem:$0x3F8D] =	sst lr;
	_ =	strace $0xD0000000  }
0x3: {  	_ = 	snop  }
0x4: {  	_ = 	snop  }
0x5: {  	_ = 	snop  }
0x6: {  	_ = 	snop  }
0x7: {  	_ = 	snop  }
__scs_overlays_trampoline_lowered:
0x8: {  	[smem:$0x3F9C] =	sst s0  }
0x9: {  	[smem:$0x3F9D] =	sst s1  }
0xa: {  	[smem:$0x3F9E] =	sst s2  }
0xb: {  	[smem:$0x3F9F] =	sst s3  }
0xc: {  	[smem:$0x3FA0] =	sst s4  }
0xd: {  	[smem:$0x3FA1] =	sst s5  }
0xe: {  	[smem:$0x3FA2] =	sst s6  }
0xf: {  	[smem:$0x3FA3] =	sst s7  }
0x10: {  	[smem:$0x3FA4] =	sst s8  }
0x11: {  	[smem:$0x3FA5] =	sst s9;
	s0 =	simm.s32 @!p0 $0x0  }
0x12: {  	s1 =	sld [smem:$0x3F8B];
	s0 =	simm.s32 @p0 $0x1  }
0x13: {  	[smem:$0x3FA6] =	sst s0;
	s0 =	simm.s32 @!p1 $0x0  }
0x14: {  	s2 =	sld [smem:$0x3F8A];
	s0 =	simm.s32 @p1 $0x1  }
0x15: {  	[smem:$0x3FA7] =	sst s0;
	s0 =	simm.s32 @!p2 $0x0  }
0x16: {  	s3 =	sld [smem:$0x3FDB];
	s0 =	simm.s32 @p2 $0x1  }
0x17: {  	s4 =	simm.s32 $0x1BF5;
	[smem:$0x3FA9] =	sst s0  }
0x18: {  	s0 =	sld [smem:$0x3F8C];
	_ =	swait.ge [sflag:s4], $0x0  }
0x19: {  	s7 =	sld [smem:$0x3F8D]  }
0x1a: {  	s8 =	sadd.s32 $0xFFFFE003, lr  }
0x1b: {  	s9 =	sadd.s32 $0xFFFFFEF7, lr;
	s5 =	simm.s32 $0xFFFFFFFF;
	p2 =	slt.u32 s8, $0xFFFFF086  }
0x1c: {  	p1 =	slt.u32 s9, $0xF7A;
	s5 =	simm.s32 @!p2 $0x0  }
0x1d: {  	s5 =	simm.s32 @p1 $0x1;
	p0 =	seq.s32 s7, s2  }
0x1e: {  	s7 =	smul.u32 @!p0 $0xF7A, s2;
	p2 =	seq.s32 @!p0 s5, $0x0  }
0x1f: {  	s9 =	smul.u32 $0xF7A, s1;
	s8 =	simm.s32 @!p0 $0x1BF5;
	p2 =	por !p2, p0  }
0x20: {  	[sflag:s8] =	ssyncset.s32 @!p0 $0xFFFFF086;
	s6 =	sadd.s32 @!p0 s3, s7;
	s7 =	simm.s32 @!p0 $0x108  }
0x21: {  	s3 =	sadd.s32 s3, s9;
	s6 =	sadd.s32 @!p0 $0x88, s6;
	s7 =	simm.s32 @p2 $0x1082  }
0x22: {  	[simem:s7], [sflag:s8] =	dma.local @!p0 [hbm:s6], $0xF7A  }
0x23: {  	s9 =	sor.u32 $0xD0000000, s2;
	s6 =	simm.s32 $0x108;
	_ =	swait.ge @!p0 [sflag:s8], $0x0  }
0x24: {  	s3 =	sadd.s32 $0x88, s3;
	s6 =	simm.s32 @!p1 $0x1082;
	[sflag:s4] =	ssyncset.s32 $0xFFFFF086  }
0x25: {  	[simem:s6], [sflag:s4] =	dma.local [hbm:s3], $0xF7A  }
0x26: {  	[smem:$0x3F8D] =	sst s1;
	(tag) =	ssettag s2;
	_ =	strace s9  }
0x27: {  	s1 =	sld [smem:$0x3F9D]  }
0x28: {  	s2 =	sld [smem:$0x3F9E]  }
0x29: {  	s4 =	sld [smem:$0x3FA0]  }
0x2a: {  	p0 =	seq.s32 s5, $0x0;
	s5 =	sld [smem:$0x3FA1]  }
0x2b: {  	s6 =	sld [smem:$0x3FA2]  }
0x2c: {  	s7 =	sld [smem:$0x3FA3]  }
0x2d: {  	s3 =	simm.s32 $0x108;
	s8 =	sld [smem:$0x3FA4]  }
0x2e: {  	s3 =	simm.s32 @!p0 $0x1082;
	s9 =	sld [smem:$0x3FA5]  }
0x2f: {  	lr =	sadd.s32 s0, s3;
	s0 =	sld [smem:$0x3F9C]  }
0x30: {  	s3 =	sld [smem:$0x3F9F]  }
0x31: {  	[smem:$0x3FA8] =	sst s10  }
0x32: {  	s10 =	sld [smem:$0x3FA6];
	_ =	sdelay $0x3  }
0x33: {  	p0 =	seq.s32 s10, $0x1;
	s10 =	sld [smem:$0x3FA8];
	_ =	sdelay $0x3  }
0x34: {  	[smem:$0x3FA8] =	sst s10  }
0x35: {  	s10 =	sld [smem:$0x3FA7];
	_ =	sdelay $0x3  }
0x36: {  	p1 =	seq.s32 s10, $0x1;
	s10 =	sld [smem:$0x3FA8];
	_ =	sdelay $0x3  }
0x37: {  	[smem:$0x3FA8] =	sst s10  }
0x38: {  	s10 =	sld [smem:$0x3FA9]  }
0x39: {  	_ = 	snop;
	(pc) =	sbr.ind lr, $3  }
0x3a: {  	_ = 	snop  }
0x3b: {  	_ = 	snop  }
0x3c: {  	p2 =	seq.s32 s10, $0x1;
	s10 =	sld [smem:$0x3FA8]  }
0x3d: {  	_ =	shalt  }
0x3e: {  	_ =	shalt  }
0x3f: {  	_ =	shalt  }
0x40: {  	_ =	shalt  }
0x41: {  	_ =	shalt  }
0x42: {  	_ =	shalt  }
0x43: {  	_ =	shalt  }
0x44: {  	_ =	shalt  }
0x45: {  	_ =	shalt  }
0x46: {  	_ =	shalt  }
0x47: {  	_ =	shalt  }
0x48: {  	_ =	shalt  }
0x49: {  	_ =	shalt  }
0x4a: {  	_ =	shalt  }
0x4b: {  	_ =	shalt  }
0x4c: {  	_ =	shalt  }
0x4d: {  	_ =	shalt  }
0x4e: {  	_ =	shalt  }
0x4f: {  	_ =	shalt  }
0x50: {  	_ =	shalt  }
0x51: {  	_ =	shalt  }
0x52: {  	_ =	shalt  }
0x53: {  	_ =	shalt  }
0x54: {  	_ =	shalt  }
0x55: {  	_ =	shalt  }
0x56: {  	_ =	shalt  }
0x57: {  	_ =	shalt  }
0x58: {  	_ =	shalt  }
0x59: {  	_ =	shalt  }
0x5a: {  	_ =	shalt  }
0x5b: {  	_ =	shalt  }
0x5c: {  	_ =	shalt  }
0x5d: {  	_ =	shalt  }
0x5e: {  	_ =	shalt  }
0x5f: {  	_ =	shalt  }
0x60: {  	_ =	shalt  }
0x61: {  	_ =	shalt  }
0x62: {  	_ =	shalt  }
0x63: {  	_ =	shalt  }
0x64: {  	_ =	shalt  }
0x65: {  	_ =	shalt  }
0x66: {  	_ =	shalt  }
0x67: {  	_ =	shalt  }
0x68: {  	_ =	shalt  }
0x69: {  	_ =	shalt  }
0x6a: {  	_ =	shalt  }
0x6b: {  	_ =	shalt  }
0x6c: {  	_ =	shalt  }
0x6d: {  	_ =	shalt  }
0x6e: {  	_ =	shalt  }
0x6f: {  	_ =	shalt  }
0x70: {  	_ =	shalt  }
0x71: {  	_ =	shalt  }
0x72: {  	_ =	shalt  }
0x73: {  	_ =	shalt  }
0x74: {  	_ =	shalt  }
0x75: {  	_ =	shalt  }
0x76: {  	_ =	shalt  }
0x77: {  	_ =	shalt  }
0x78: {  	_ =	shalt  }
0x79: {  	_ =	shalt  }
0x7a: {  	_ =	shalt  }
0x7b: {  	_ =	shalt  }
0x7c: {  	_ =	shalt  }
0x7d: {  	_ =	shalt  }
0x7e: {  	_ =	shalt  }
0x7f: {  	_ =	shalt  }
0x80: {  	_ =	shalt  }
0x81: {  	_ =	shalt  }
0x82: {  	_ =	shalt  }
0x83: {  	_ =	shalt  }
0x84: {  	_ =	shalt  }
0x85: {  	_ =	shalt  }
0x86: {  	_ =	shalt  }
0x87: {  	_ =	shalt  }
.Lfunc_end0:
.L_simem_size_0:
called_computation_lowered:
.L_overlay_start_0:
0x88: {  	s2 =	sld [smem:$0x3FD9]  }
0x89: {  	s3 =	sld [smem:$0x3FFE];
	_ =	sdelay $0x1  }
0x8a: {  	s1 =	srdreg.scid  }
0x8b: {  	s0 =	sand.u32 $0x1, s1  }
0x8c: {  	s17 =	sshll.u32 s0, $0xA;
	s2 =	sadd.s32 s3, s2  }
0x8d: {  	s2 =	sadd.s32 s2, s17  }
0x8e: {  	[smem:$0x3FB4] =	sst s2  }
0x8f: {  	_ = 	snop  }
0x90: {  	s2 =	sld [smem:$0x3FC8];
	(tm) =	ssettm $0x1  }
0x91: {  	s18 =	sld [smem:$0x3FFB];
	_ =	sdelay $0x3  }
0x92: {  	_ =	strace s18  }
0x93: {  	s3 =	sld [smem:$0x3FFC];
	_ =	sdelay $0x3  }
0x94: {  	_ =	strace s3  }
0x95: {  	s3 =	sld [smem:$0x3FFD];
	_ =	sdelay $0x3  }
0x96: {  	_ =	strace s3  }
0x97: {  	_ =	strace $0x8FFFFFFF  }
0x98: {  	s19 =	sld [smem:$0x3FDB];
	_ =	sdelay $0x1  }
0x99: {  	s4 =	simm.s32 $_scs_section_size  }
0x9a: {  	s5 =	simm.s32 $_size__tile_overlayer_lowered;
	s6 =	simm.s32 $_tile_overlayer_lowered  }
0x9b: {  	s22 =	simm.s32 $0x1BFF;
	s21 =	sshll.u32 s6, $0x1;
	s3 =	sadd.s32 s4, s19  }
0x9c: {  	s7 =	simm.s32 $0x0;
	s20 =	sshll.u32 s5, $0x1;
	s5 =	sadd.s32 s21, s3  }
0x9d: {  	[timem:s7], [sflag:s22] =	dma.local [hbm:s5], s20  }
0x9e: {  	_ =	swait.ge [sflag:s22], s20  }
0x9f: {  	s4 =	ssub.s32 $0x0, s20;
	[sflag:s22] =	ssyncset.done $0x0  }
0xa0: {  	[sflag:s22] =	ssyncadd.s32 s4;
	_ =	sdelay $0x1  }
0xa1: {  	s23 =	simm.s32 $0x1B8B  }
0xa2: {  	_ =	swait.ge [sflag:s23], $0x1  }
0xa3: {  	[sflag:s23] =	ssyncset.done $0x0  }
0xa4: {  	s25 =	simm.s32 $0x1B8E;
	s24 =	sld [smem:$0x3FFE];
	[sflag:s23] =	ssyncadd.s32 $0xFFFFFFFF  }
0xa5: {  	s26 =	simm.s32 $execute0_lowered;
	[smem:$0x3FD2] =	sst s25  }
0xa6: {  	s5 =	sshll.u32 s26, $0x1;
	_ =	strace $0x80000046;
	[dreg:$0x1] =	wrdreg $0xFFFFFFFF  }
0xa7: {  	s28 =	simm.s32 $_size_execute0_lowered;
	s3 =	sadd.s32 s3, s5;
	[dreg:$0x0] =	wrdreg $0x0  }
0xa8: {  	s5 =	sshll.u32 s28, $0x1;
	[dreg:$0x2] =	wrdreg s3  }
0xa9: {  	[dreg:$0x3] =	wrdreg s5  }
0xaa: {  	[dreg:$0x4] =	wrdreg $0xC0  }
0xab: {  	_ =	task [dreg:s7], $0x5FFFF  }
0xac: {  	[dreg:$0x1] =	wrdreg $0xFFFFFFFF  }
0xad: {  	[dreg:$0x0] =	wrdreg $0x60  }
0xae: {  	[dreg:$0x2] =	wrdreg s24  }
0xaf: {  	[dreg:$0x3] =	wrdreg s2  }
0xb0: {  	[dreg:$0x4] =	wrdreg $0x14F000  }
0xb1: {  	[dreg:$0x5] =	wrdreg $0x19F000  }
0xb2: {  	[dreg:$0x6] =	wrdreg $0x9  }
0xb3: {  	_ =	task.clear_ibuf [dreg:s7], $0x7FFFF;
	_ =	strace $0x90000046  }
0xb4: {  	s29 =	simm.s32 $0x9;
	_ =	strace $0x80000048  }
0xb5: {  	_ =	swait.ge [sflag:s29], $0x1  }
0xb6: {  	[sflag:s29] =	ssyncadd.s32 $0xFFFFFFFF  }
0xb7: {  	_ =	strace $0x90000048  }
0xb8: {  	_ =	sfence  }
0xb9: {  	s30 =	sld [smem:$0x0];
	_ =	sdelay $0x2  }
0xba: {  	s31 =	sshll.u32 s1, $0xD;
	s1 =	sshrl.u32 s1, $0x2  }
0xbb: {  	s3 =	sand.u32 $0x4000, s31;
	s1 =	sadd.s32 s1, s30  }
0xbc: {  	s0 =	sor.u32 s3, s0;
	s1 =	sshll.u32 s1, $0x11  }
0xbd: {  	s0 =	sor.u32 s1, s0  }
0xbe: {  	s0 =	sadd.s32 $0x8F2B, s0  }
0xbf: {  	[sflag:s0] =	ssyncadd.remote.s32 $0x1  }
0xc0: {  	_ =	sfence.sel $0xFFFF  }
0xc1: {  	[dreg:$0x0] =	wrdreg $0xFFFFFFFF;
	(pc) =	sbr.abs _section_cstart, $3  }
0xc2: {  	[dreg:$0x1] =	wrdreg $0xFFFFFFFF  }
0xc3: {  	_ =	task.clear_ibuf [dreg:s7], $0x2FFFF;
	_ =	strace $0x9FFFFFFF  }
0xc4: {  	(tm) =	ssettm $0x7FFFFFFF  }
0xc5: {  	_ =	shalt  }
tec
execute0_lowered:
.L_overlay_start_1:
0x0: {  	(tag) =	ssettag $0x1  }
0x1: {  	s0 =	rddreg [dreg:$0x0]  }
0x2: {  	s1 =	rddreg [dreg:$0x1]  }
0x3: {  	s2 =	rddreg [dreg:$0x2]  }
0x4: {  	s3 =	rddreg [dreg:$0x3];
	s12 =	stileid.u32  }
0x5: {  	s6 =	simm.s32 $0x0;
	s5 =	srdreg.scid;
	s14 =	simm.s32 $0x4  }
0x6: {  	s29 =	simm.s32 $0x7F00;
	s31 =	simm.s32 $0x8F00;
	s4 =	smul.u32 $0x2710, s12  }
0x7: {  	s30 =	simm.s32 $0xAF00;
	s28 =	simm.s32 $0xBF00;
	s16 =	smul.u32 $0x5000, s12  }
0x8: {  	[smem:$0x7FF] =	sst s6;
	s5 =	sand.u32 $0x1, s5;
	s9 =	smul.u32 $0x14000, s12  }
0x9: {  	s10 =	sshll.u32 s12, $0x1;
	p0 =	slt.u32 s12, $0x2;
	s19 =	smul.u32 $0x13880, s12  }
0xa: {  	s20 =	sshll.u32 s12, $0x6;
	_ =	strace $0x80000047;
	s7 =	smul.u32 $0x140000, s5  }
0xb: {  	s10 =	sor.u32 s5, s10;
	s5 =	ssub.s32 $0x2, s5;
	s8 =	sshrl.u32 s16, $0x3  }
0xc: {  	s4 =	sadd.s32 s4, s0;
	s17 =	smul.u32 $0x4E, s10;
	s11 =	sshrl.u32 s5, $0x1  }
0xd: {  	s10 =	smin.u32 s10, $0x4;
	s6 =	sadd.s32 s16, s2;
	s16 =	simm.s32 $0x3  }
0xe: {  	s8 =	sadd.s32 s8, s0;
	s7 =	sadd.s32 s9, s7;
	s5 =	ssub.s32 s5, s11  }
0xf: {  	s9 =	sshrl.u32 s19, $0x2;
	s22 =	sadd.s32 $0x3600, s4;
	s15 =	sshrl.u32 s6, $0x3  }
0x10: {  	s6 =	simm.s32 $0x10;
	s4 =	simm.s32 $0x0;
	s7 =	sshrl.u32 s7, $0x3  }
0x11: {  	s18 =	sadd.s32 s10, s17;
	s10 =	simm.s32 $0x4F;
	s8 =	sadd.s32 $0x2A800, s8  }
0x12: {  	s9 =	sadd.s32 s9, s3;
	[dreg:$0x7] =	wrdreg s22;
	s26 =	smax.u32 s5, $0x1  }
0x13: {  	s22 =	simm.s32 $0x100;
	s0 =	sadd.s32 s7, s0;
	s10 =	simm.s32 @!p0 $0x4E  }
0x14: {  	[dreg:$0x6] =	wrdreg s8;
	s21 =	sshll.u32 s18, $0x5;
	s7 =	sor.u32 $0x1C03, s20  }
0x15: {  	[dreg:$0xc] =	wrdreg s26;
	p0 =	sgt.u32 s12, $0x1;
	s17 =	sshrl.u32 s9, $0x3  }
0x16: {  	[dreg:$0x5] =	wrdreg s10;
	s8 =	sadd.s32 s1, s21;
	s0 =	sadd.s32 $0x34800, s0  }
0x17: {  	s18 =	simm.s32 $0x1;
	s23 =	sadd.s32 $0x10, s8;
	[dreg:$0xb] =	wrdreg s0  }
0x18: {  	s26 =	simm.s32 $0x6F00;
	s24 =	sadd.s32 $0x9D0, s8;
	[dreg:$0x8] =	wrdreg s23  }
0x19: {  	s21 =	simm.s32 $0x80;
	s25 =	sadd.s32 $0x9C0, s8;
	[dreg:$0x9] =	wrdreg s24  }
0x1a: {  	s1 =	simm.s32 $0x9F00;
	s0 =	simm.s32 $0x2;
	[dreg:$0xa] =	wrdreg s25  }
0x1b: {  	s23 =	simm.s32 $0x2780;
	s24 =	simm.s32 $0x4F00;
	s25 =	simm.s32 $0x5F00  }
.LBB2_1:
0x1c: {  	s5 =	rddreg [dreg:$0x6]  }
0x1d: {  	[spmem:s15], [sflag:s7] =	dma.local [hbm:s5], $0xA00  }
0x1e: {  	_ =	swait.ge [sflag:s16], $0xA00  }
0x1f: {  	[sflag:s16] =	ssyncset.done $0x0  }
0x20: {  	s20 =	rddreg [dreg:$0x7];
	[sflag:s16] =	ssyncadd.s32 $0xFFFFF600  }
0x21: {  	[spmem:s17@s14], [sflag:s7] =	dma.strided [hbm:s20@s6], $0x9C4, s18, $0x4   }
0x22: {  	_ =	swait.ge [sflag:s16], $0x9C4  }
0x23: {  	[sflag:s16] =	ssyncset.done $0x0  }
0x24: {  	s10 =	simm.s32 $0x0;
	s9 =	rddreg [dreg:$0x8];
	[sflag:s16] =	ssyncadd.s32 $0xFFFFF63C  }
0x25: {  	[tilespmem:s10], [sflag:$0x3] =	stream.strided.gather [hbm4b:s9+s21], $0x2700, s22, s21, $0x38;
	[tilespmem:$0x1ED20] =	vst v63  }
0x26: {  	_ =	swait.ge [sflag:s16], $0x2700  }
0x27: {  	[sflag:s16] =	ssyncset.done $0x0  }
0x28: {  	[sflag:s16] =	ssyncadd.s32 $0xFFFFD900  }
0x29: {  	[tilespmem:s23], [sflag:$0x3] =	stream.strided.gather [hbm4b:s8+s21], $0x2700, s22, s21, $0x38;
	[tilespmem:$0x1ED20] =	vst v63  }
0x2a: {  	_ =	swait.ge [sflag:s16], $0x2700  }
0x2b: {  	s5 =	simm.s32 @!p0 $0x0;
	[sflag:s16] =	ssyncset.done $0x0  }
0x2c: {  	s6 =	simm.s32 @!p0 $0x2700;
	s9 =	rddreg [dreg:$0x9];
	[sflag:s16] =	ssyncadd.s32 $0xFFFFD900  }
0x2d: {  	[tilespmem:s6], [sflag:$0x3] =	stream.linear.gather @!p0 [hbm4b:s9+s5], $0x80, $0x38;
	[tilespmem:$0x1ED20] =	vst v63  }
0x2e: {  	s6 =	simm.s32 @!p0 $0x3  }
0x2f: {  	_ =	swait.ge @!p0 [sflag:s6], $0x80  }
0x30: {  	[sflag:s6] =	ssyncset.done @!p0 $0x0  }
0x31: {  	s9 =	simm.s32 @!p0 $0x4E80;
	s11 =	rddreg [dreg:$0xa];
	[sflag:s6] =	ssyncadd.s32 @!p0 $0xFFFFFF80  }
0x32: {  	[tilespmem:s9], [sflag:$0x3] =	stream.linear.gather @!p0 [hbm4b:s11+s5], $0x80, $0x38;
	[tilespmem:$0x1ED20] =	vst v63  }
0x33: {  	_ =	swait.ge @!p0 [sflag:s6], $0x80  }
0x34: {  	[sflag:s6] =	ssyncset.done @!p0 $0x0  }
0x35: {  	[sflag:s6] =	ssyncadd.s32 @!p0 $0xFFFFFF80  }
0x36: {  	[bflag:$0x0] =	sbarrier.arrive $0xFFFF  }
0x37: {  	[tilespmem:s24], [sflag:$0x1] =	stream.indirect.gather [spmem:s3], $0x20, s10, s21, $0xb8;
	[tilespmem:$0x1ED20] =	vst v63  }
0x38: {  	_ = 	snop  }
0x39: {  	[tilespmem:s25], [sflag:$0x1] =	stream.indirect.gather [spmem:s3], $0x20, s21, s21, $0xb8;
	[tilespmem:$0x1ED20] =	vst v63  }
0x3a: {  	_ = 	snop  }
0x3b: {  	[tilespmem:s26], [sflag:$0x1] =	stream.indirect.gather [spmem:s3], $0x20, s22, s21, $0xb8;
	[tilespmem:$0x1ED20] =	vst v63  }
0x3c: {  	s11 =	simm.s32 $0x180  }
0x3d: {  	[tilespmem:s29], [sflag:$0x1] =	stream.indirect.gather [spmem:s3], $0x20, s11, s21, $0xb8;
	[tilespmem:$0x1ED20] =	vst v63  }
0x3e: {  	s12 =	simm.s32 $0x200  }
0x3f: {  	[tilespmem:s31], [sflag:$0x1] =	stream.indirect.gather [spmem:s3], $0x20, s12, s21, $0xb8;
	[tilespmem:$0x1ED20] =	vst v63  }
0x40: {  	s13 =	simm.s32 $0x280  }
0x41: {  	[tilespmem:s1], [sflag:$0x1] =	stream.indirect.gather [spmem:s3], $0x20, s13, s21, $0xb8;
	[tilespmem:$0x1ED20] =	vst v63  }
0x42: {  	s19 =	simm.s32 $0x300  }
0x43: {  	[tilespmem:s30], [sflag:$0x1] =	stream.indirect.gather [spmem:s3], $0x20, s19, s21, $0xb8;
	[tilespmem:$0x1ED20] =	vst v63  }
0x44: {  	s20 =	simm.s32 $0x380  }
0x45: {  	[tilespmem:s28], [sflag:$0x1] =	stream.indirect.gather [spmem:s3], $0x20, s20, s21, $0xb8;
	[tilespmem:$0x1ED20] =	vst v63  }
0x46: {  	s9 =	simm.s32 $0xCF00;
	s6 =	simm.s32 $0x400  }
0x47: {  	[tilespmem:s9], [sflag:$0x1] =	stream.indirect.gather [spmem:s3], $0x20, s6, s21, $0xb8;
	[tilespmem:$0x1ED20] =	vst v63  }
0x48: {  	_ =	swait.ge [sflag:s18], $0x1000  }
0x49: {  	[sflag:s18] =	ssyncset.done $0x0  }
0x4a: {  	[sflag:s18] =	ssyncadd.s32 $0xFFFFF000  }
0x4b: {  	[spmem:s2] =	stream.indirect.scatter.add.f32 [tilespmem:s24], [sflag:$0x2], $0x20, s23, s21, $0xb8;
	[tilespmem:$0x1ED20] =	vst v63  }
0x4c: {  	s10 =	simm.s32 $0x480;
	s11 =	simm.s32 $0xDF00  }
0x4d: {  	[tilespmem:s11], [sflag:$0x1] =	stream.indirect.gather [spmem:s3], $0x20, s10, s21, $0xb8;
	[tilespmem:$0x1ED20] =	vst v63  }
0x4e: {  	_ =	swait.ge [sflag:s18], $0x1000  }
0x4f: {  	[sflag:s18] =	ssyncset.done $0x0  }
0x50: {  	s12 =	simm.s32 $0x2800;
	[sflag:s18] =	ssyncadd.s32 $0xFFFFF000  }
0x51: {  	[spmem:s2] =	stream.indirect.scatter.add.f32 [tilespmem:s25], [sflag:$0x2], $0x20, s12, s21, $0xb8;
	[tilespmem:$0x1ED20] =	vst v63  }
0x52: {  	s13 =	simm.s32 $0x500;
	s19 =	simm.s32 $0xEF00  }
0x53: {  	[tilespmem:s19], [sflag:$0x1] =	stream.indirect.gather [spmem:s3], $0x20, s13, s21, $0xb8;
	[tilespmem:$0x1ED20] =	vst v63  }
0x54: {  	_ =	swait.ge [sflag:s18], $0x1000  }
0x55: {  	[sflag:s18] =	ssyncset.done $0x0  }
0x56: {  	s20 =	simm.s32 $0x2880;
	[sflag:s18] =	ssyncadd.s32 $0xFFFFF000  }
0x57: {  	[spmem:s2] =	stream.indirect.scatter.add.f32 [tilespmem:s26], [sflag:$0x2], $0x20, s20, s21, $0xb8;
	[tilespmem:$0x1ED20] =	vst v63  }
0x58: {  	s6 =	simm.s32 $0x580;
	s9 =	simm.s32 $0xFF00  }
0x59: {  	[tilespmem:s9], [sflag:$0x1] =	stream.indirect.gather [spmem:s3], $0x20, s6, s21, $0xb8;
	[tilespmem:$0x1ED20] =	vst v63  }
0x5a: {  	_ =	swait.ge [sflag:s18], $0x1000  }
0x5b: {  	[sflag:s18] =	ssyncset.done $0x0  }
0x5c: {  	s10 =	simm.s32 $0x2900;
	[sflag:s18] =	ssyncadd.s32 $0xFFFFF000  }
0x5d: {  	[spmem:s2] =	stream.indirect.scatter.add.f32 [tilespmem:s29], [sflag:$0x2], $0x20, s10, s21, $0xb8;
	[tilespmem:$0x1ED20] =	vst v63  }
0x5e: {  	s11 =	simm.s32 $0x600;
	s12 =	simm.s32 $0x10F00  }
0x5f: {  	[tilespmem:s12], [sflag:$0x1] =	stream.indirect.gather [spmem:s3], $0x20, s11, s21, $0xb8;
	[tilespmem:$0x1ED20] =	vst v63  }
0x60: {  	_ =	swait.ge [sflag:s18], $0x1000  }
0x61: {  	[sflag:s18] =	ssyncset.done $0x0  }
0x62: {  	s13 =	simm.s32 $0x2980;
	[sflag:s18] =	ssyncadd.s32 $0xFFFFF000  }
0x63: {  	[spmem:s2] =	stream.indirect.scatter.add.f32 [tilespmem:s31], [sflag:$0x2], $0x20, s13, s21, $0xb8;
	[tilespmem:$0x1ED20] =	vst v63  }
0x64: {  	s19 =	simm.s32 $0x680;
	s20 =	simm.s32 $0x11F00  }
0x65: {  	[tilespmem:s20], [sflag:$0x1] =	stream.indirect.gather [spmem:s3], $0x20, s19, s21, $0xb8;
	[tilespmem:$0x1ED20] =	vst v63  }
0x66: {  	_ =	swait.ge [sflag:s18], $0x1000  }
0x67: {  	[sflag:s18] =	ssyncset.done $0x0  }
0x68: {  	s9 =	simm.s32 $0x2A00;
	[sflag:s18] =	ssyncadd.s32 $0xFFFFF000  }
0x69: {  	[spmem:s2] =	stream.indirect.scatter.add.f32 [tilespmem:s1], [sflag:$0x2], $0x20, s9, s21, $0xb8;
	[tilespmem:$0x1ED20] =	vst v63  }
0x6a: {  	s10 =	simm.s32 $0x700;
	s11 =	simm.s32 $0x12F00  }
0x6b: {  	[tilespmem:s11], [sflag:$0x1] =	stream.indirect.gather [spmem:s3], $0x20, s10, s21, $0xb8;
	[tilespmem:$0x1ED20] =	vst v63  }
0x6c: {  	s6 =	simm.s32 @!p0 $0x47;
	_ =	swait.ge [sflag:s18], $0x1000  }
0x6d: {  	s6 =	simm.s32 @p0 $0x46;
	[sflag:s18] =	ssyncset.done $0x0  }
0x6e: {  	s12 =	simm.s32 $0x2A80;
	s11 =	sshll.u32 s6, $0xE;
	[sflag:s18] =	ssyncadd.s32 $0xFFFFF000  }
0x6f: {  	[spmem:s2] =	stream.indirect.scatter.add.f32 [tilespmem:s30], [sflag:$0x2], $0x20, s12, s21, $0xb8;
	[tilespmem:$0x1ED20] =	vst v63  }
0x70: {  	s13 =	simm.s32 $0x780;
	s19 =	simm.s32 $0x13F00;
	p2 =	sne.s32 s11, $0x24000  }
0x71: {  	[tilespmem:s19], [sflag:$0x1] =	stream.indirect.gather [spmem:s3], $0x20, s13, s21, $0xb8;
	[tilespmem:$0x1ED20] =	vst v63  }
.Ltmp0:
0x72: {  	_ =	swait.ge [sflag:s18], $0x1000;
	(pc) =	sbr.rel @!p2 .LBB2_2-.Ltmp0, $4  }
0x73: {  	p1 =	por $0x0, $0x0;
	s20 =	simm.s32 $0x2B00;
	[sflag:s18] =	ssyncset.done $0x0  }
0x74: {  	s10 =	simm.s32 $0x800;
	s12 =	simm.s32 $0x24000;
	[sflag:s18] =	ssyncadd.s32 $0xFFFFF000  }
0x75: {  	[spmem:s2] =	stream.indirect.scatter.add.f32 [tilespmem:s28], [sflag:$0x2], $0x20, s20, s21, $0xb8;
	[tilespmem:$0x1ED20] =	vst v63  }
0x76: {  	s19 =	simm.s32 $0x2B80;
	s13 =	simm.s32 $0x40000;
	s20 =	simm.s32 $0x20000  }
0x77: {  	_ =	swait.ge [sflag:s0], $0x1000  }
0x78: {  	s5 =	sand.u32 $0x3C000, s13;
	s13 =	simm.s32 $0x44000;
	s14 =	simm.s32 $0x28000  }
0x79: {  	p2 =	sne.s32 s11, $0x28000;
	[sflag:s0] =	ssyncset.done $0x0;
	s5 =	sshrl.u32 s5, $0x2  }
.Ltmp1:
0x7a: {  	[sflag:s0] =	ssyncadd.s32 $0xFFFFF000;
	s5 =	sadd.s32 $0x4F00, s5;
	(pc) =	sbr.rel @!p2 .LBB2_4-.Ltmp1, $4  }
0x7b: {  	[tilespmem:s5], [sflag:$0x1] =	stream.indirect.gather [spmem:s3], $0x20, s10, s21, $0xb8;
	[tilespmem:$0x1ED20] =	vst v63  }
0x7c: {  	s20 =	sand.u32 $0x3C000, s20;
	s9 =	simm.s32 $0x2C00;
	_ =	swait.ge [sflag:s18], $0x1000  }
0x7d: {  	p1 =	por $0x1, $0x1;
	s5 =	sshrl.u32 s20, $0x2;
	[sflag:s18] =	ssyncset.done $0x0  }
0x7e: {  	s10 =	simm.s32 $0x880;
	s5 =	sadd.s32 $0x4F00, s5;
	[sflag:s18] =	ssyncadd.s32 $0xFFFFF000  }
.LBB2_5:
0x7f: {  	[spmem:s2] =	stream.indirect.scatter.add.f32 [tilespmem:s5], [sflag:$0x2], $0x20, s19, s21, $0xb8;
	[tilespmem:$0x1ED20] =	vst v63  }
0x80: {  	s5 =	smov.u32 s12  }
0x81: {  	s12 =	smov.u32 s14;
	s19 =	smov.u32 s9;
	s20 =	sand.u32 $0x3C000, s13  }
0x82: {  	s13 =	sadd.s32 $0x20000, s14;
	s14 =	sadd.s32 $0x4000, s14;
	_ =	swait.ge [sflag:s0], $0x1000  }
0x83: {  	s20 =	sshrl.u32 s20, $0x2;
	p2 =	sne.s32 s11, s14;
	[sflag:s0] =	ssyncset.done $0x0  }
.Ltmp2:
0x84: {  	s20 =	sadd.s32 $0x4F00, s20;
	[sflag:s0] =	ssyncadd.s32 $0xFFFFF000;
	(pc) =	sbr.rel @p2 .LBB2_5-.Ltmp2, $4  }
0x85: {  	[tilespmem:s20], [sflag:$0x1] =	stream.indirect.gather [spmem:s3], $0x20, s10, s21, $0xb8;
	[tilespmem:$0x1ED20] =	vst v63  }
0x86: {  	s5 =	sand.u32 $0x3C000, s5;
	_ =	swait.ge [sflag:s18], $0x1000  }
0x87: {  	s5 =	sshrl.u32 s5, $0x2;
	s10 =	sadd.s32 $0x80, s10;
	[sflag:s18] =	ssyncset.done $0x0  }
0x88: {  	s9 =	sadd.s32 $0x80, s9;
	s5 =	sadd.s32 $0x4F00, s5;
	[sflag:s18] =	ssyncadd.s32 $0xFFFFF000  }
0x89: {  	s11 =	smov.u32 s19  }
0x8a: {  	s20 =	smov.u32 s12;
	s19 =	smov.u32 s9;
	s14 =	simm.s32 $0x4  }
.LBB2_7:
0x8b: {  	[spmem:s2] =	stream.indirect.scatter.add.f32 @p1 [tilespmem:s5], [sflag:$0x2], $0x20, s11, s21, $0xb8;
	[tilespmem:$0x1ED20] =	vst v63  }
0x8c: {  	s11 =	sand.u32 $0x3C000, s13;
	_ =	swait.ge [sflag:s0], $0x1000  }
0x8d: {  	s5 =	sshrl.u32 s11, $0x2;
	[sflag:s0] =	ssyncset.done $0x0  }
0x8e: {  	s5 =	sadd.s32 $0x4F00, s5;
	[sflag:s0] =	ssyncadd.s32 $0xFFFFF000  }
0x8f: {  	[tilespmem:s5], [sflag:$0x1] =	stream.indirect.gather [spmem:s3], $0x20, s10, s21, $0xb8;
	[tilespmem:$0x1ED20] =	vst v63  }
0x90: {  	s12 =	sand.u32 $0x3C000, s20;
	_ =	swait.ge [sflag:s18], $0x1000  }
0x91: {  	s5 =	sshrl.u32 s12, $0x2;
	[sflag:s18] =	ssyncset.done $0x0  }
0x92: {  	s5 =	sadd.s32 $0x4F00, s5;
	[sflag:s18] =	ssyncadd.s32 $0xFFFFF000  }
0x93: {  	[spmem:s2] =	stream.indirect.scatter.add.f32 [tilespmem:s5], [sflag:$0x2], $0x20, s19, s21, $0xb8;
	[tilespmem:$0x1ED20] =	vst v63  }
0x94: {  	_ =	swait.ge [sflag:s0], $0x1000  }
0x95: {  	s13 =	rddreg [dreg:$0x5]  }
0x96: {  	s9 =	ssub.s32 s13, s6  }
0x97: {  	p1 =	sne.s32 s9, $0x1  }
.Ltmp3:
0x98: {  	[sflag:s0] =	ssyncset.done $0x0;
	(pc) =	sbr.rel @!p1 .LBB2_9-.Ltmp3, $4  }
0x99: {  	s20 =	sshll.u32 s6, $0x7;
	s19 =	sand.u32 $0xF, s6;
	[sflag:s0] =	ssyncadd.s32 $0xFFFFF000  }
0x9a: {  	s10 =	sadd.s32 $0x2780, s20;
	s5 =	sshll.u32 s19, $0xC;
	_ =	swait.ge [sflag:s18], $0x1000  }
0x9b: {  	s11 =	sadd.s32 $0x80, s10;
	s12 =	sadd.s32 $0x4F00, s5;
	[sflag:s18] =	ssyncset.done $0x0  }
0x9c: {  	s5 =	sadd.s32 $0x1000, s12;
	s6 =	sadd.s32 $0xFFFFFFFF, s9;
	[sflag:s18] =	ssyncadd.s32 $0xFFFFF000  }
.LBB2_8:
0x9d: {  	[spmem:s2] =	stream.indirect.scatter.add.f32 [tilespmem:s12], [sflag:$0x2], $0x20, s10, s21, $0xb8;
	[tilespmem:$0x1ED20] =	vst v63  }
0x9e: {  	p2 =	sne.s32 s6, $0x1;
	s6 =	sadd.s32 $0xFFFFFFFF, s6;
	_ =	swait.ge [sflag:s0], $0x1000  }
.Ltmp4:
0x9f: {  	s10 =	smov.u32 s11;
	[sflag:s0] =	ssyncset.done $0x0;
	(pc) =	sbr.rel @p2 .LBB2_8-.Ltmp4, $4  }
0xa0: {  	s12 =	smov.u32 s5;
	[sflag:s0] =	ssyncadd.s32 $0xFFFFF000  }
0xa1: {  	_ =	swait.ge [sflag:s18], $0x1000  }
0xa2: {  	[sflag:s18] =	ssyncset.done $0x0  }
0xa3: {  	s11 =	sadd.s32 $0x80, s11;
	s5 =	sadd.s32 $0x1000, s5;
	[sflag:s18] =	ssyncadd.s32 $0xFFFFF000  }
.LBB2_9:
.Ltmp5:
0xa4: {  	(pc) =	sbr.rel @!p1 .LBB2_11-.Ltmp5, $4  }
0xa5: {  	_ = 	snop  }
0xa6: {  	[spmem:s2] =	stream.indirect.scatter.add.f32 [tilespmem:s12], [sflag:$0x2], $0x20, s10, s21, $0xb8;
	[tilespmem:$0x1ED20] =	vst v63  }
0xa7: {  	_ =	swait.ge [sflag:s0], $0x1000  }
0xa8: {  	s5 =	sadd.s32 $0xFFFFFFFF, s9;
	[sflag:s0] =	ssyncset.done $0x0  }
.LBB2_10:
0xa9: {  	p1 =	sne.s32 s5, $0x1;
	s5 =	sadd.s32 $0xFFFFFFFF, s5;
	[sflag:s0] =	ssyncadd.s32 $0xFFFFF000  }
.Ltmp6:
0xaa: {  	(pc) =	sbr.rel @p1 .LBB2_10-.Ltmp6, $3  }
0xab: {  	_ =	sdelay $0x1  }
0xac: {  	_ =	swait.ge [sflag:s0], $0x1000  }
0xad: {  	[sflag:s0] =	ssyncset.done $0x0  }
.LBB2_11:
0xae: {  	[sflag:s0] =	ssyncadd.s32 $0xFFFFF000  }
0xaf: {  	[bflag:$0x0] =	sbarrier.arrive $0xFFFF  }
0xb0: {  	s6 =	simm.s32 $0x10;
	s5 =	rddreg [dreg:$0xb]  }
0xb1: {  	[hbm:s5@s6], [sflag:s7] =	dma.strided [spmem:s15@s14], $0xA00, s18, $0x4   }
0xb2: {  	_ =	swait.ge [sflag:s16], $0xA00  }
0xb3: {  	s4 =	sadd.s32 $0x1, s4;
	s20 =	rddreg [dreg:$0xc]  }
0xb4: {  	p1 =	sne.s32 s4, s20  }
.Ltmp7:
0xb5: {  	_ = 	snop;
	(pc) =	sbr.rel @p1 .LBB2_1-.Ltmp7, $4  }
.Ltmp8:
0xb6: {  	_ = 	snop;
	(pc) =	sbr.rel @!p1 .LBB2_12-.Ltmp8, $4  }
0xb7: {  	_ = 	snop  }
0xb8: {  	[sflag:s16] =	ssyncset.done $0x0  }
0xb9: {  	[sflag:s16] =	ssyncadd.s32 $0xFFFFF600  }
0xba: {  	_ = 	snop  }
.LBB2_2:
.Ltmp9:
0xbb: {  	(pc) =	sbr.rel .LBB2_7-.Ltmp9, $2  }
0xbc: {  	_ =	sdelay $0x2  }
0xbd: {  	_ = 	snop  }
.LBB2_4:
.Ltmp10:
0xbe: {  	(pc) =	sbr.rel .LBB2_7-.Ltmp10, $3  }
0xbf: {  	_ =	sdelay $0x1  }
0xc0: {  	s11 =	simm.s32 $0x2B80;
	s20 =	simm.s32 $0x24000  }
0xc1: {  	s19 =	simm.s32 $0x2C00;
	s13 =	simm.s32 $0x44000;
	s14 =	simm.s32 $0x4  }
.LBB2_12:
0xc2: {  	_ =	sfence.sel $0x180000  }
0xc3: {  	[bflag:$0x0] =	sbarrier.arrive $0xFFFF  }
0xc4: {  	_ =	strace $0x90000047  }
0xc5: {  	s0 =	stileid.u32;
	[bflag:$0x2] =	sbarrier.arrive $0xFFFF  }
0xc6: {  	p0 =	sne.s32 s0, $0x0;
	s0 =	rddreg [dreg:$0x4]  }
0xc7: {  	s0 =	sadd.s32 @!p0 $0x100000, s0  }
0xc8: {  	[sflag:s0] =	ssyncadd.tile.s32 @!p0 $0x1;
	_ =	shalt  }
.Lfunc_end2:
_tile_overlayer_lowered:
.L_overlay_start_2:
0xc9: {  	(tag) =	ssettag $0x2  }
0xca: {  	s0 =	rddreg [dreg:$0x0];
	s2 =	stileid.u32  }
0xcb: {  	s1 =	rddreg [dreg:$0x1];
	p0 =	sne.s32 s2, $0x0  }
0xcc: {  	s3 =	rddreg [dreg:$0x2];
	[bflag:$0x3] =	sbarrier.arrive $0xFFFF;
	s2 =	simm.s32 @!p0 $0x1C03  }
0xcd: {  	[timem:s3], [sflag:s2] =	dma.local @!p0 [hbm:s0], s1  }
0xce: {  	s0 =	simm.s32 @!p0 $0x3  }
0xcf: {  	_ =	swait.ge @!p0 [sflag:s0], s1  }
0xd0: {  	s1 =	ssub.s32 @!p0 $0x0, s1;
	[sflag:s0] =	ssyncset.done @!p0 $0x0  }
0xd1: {  	[sflag:s0] =	ssyncadd.s32 @!p0 s1  }
0xd2: {  	[bflag:$0x3] =	sbarrier.arrive $0xFFFF  }
0xd3: {  	_ =	shalt  }

</sc_bundles>
